<compile_context>
chip_gen: v7x
topology: tpu7x:2x2x1
jax: 0.10.2.dev20260603
libtpu: 0.0.44.dev20260713+nightly
codegen_flags: <defaults>
</compile_context>

<pallas_src>
import functools

import jax
import jax.numpy as jnp
from jax import lax
from jax.experimental import pallas as pl
from jax.experimental.pallas import tpu as pltpu
from jax.experimental.pallas import tpu_sc as plsc

N_NODES = 10000
N_EDGES = 320000
D_ATOM = 128
D_PAIR = 16
H = 128

NC = 2
NS = 16
CHUNK = 128
NROWS = 2560
E_PAD = NROWS * CHUNK
CPT_W = NROWS // (NC * NS)
CPT_H0 = 128
CPT_H1 = 32
CPT_C = NROWS // NS
ACC_ROWS = 10112
DUMMY = N_NODES
INIT_ROWS = ACC_ROWS // NS
IGRP = 16
HPK = D_ATOM // 2


@functools.cache
def _mesh():
    return plsc.VectorSubcoreMesh(core_axis_name="c", subcore_axis_name="s",
                                  num_cores=NC, num_subcores=NS)


def _wait(dummy_ref, buf, sem):
    pltpu.make_async_copy(dummy_ref.at[pl.ds(0, CHUNK)], buf, sem).wait()


def _sc_h_body(atom_hbm, src2d, dst2d, zeros_hbm, hpart,
               gidx_g, didx_g, rows0, rows1, acc, sem0, sem1):
    c = lax.axis_index("c")
    s = lax.axis_index("s")
    tile_base = jnp.where(c == 0, s * CPT_H0, NS * CPT_H0 + s * CPT_H1)
    ngroups = jnp.where(c == 0, CPT_H0 // IGRP, CPT_H1 // IGRP)
    pltpu.sync_copy(zeros_hbm.at[pl.ds(s * INIT_ROWS, INIT_ROWS)],
                    acc.at[pl.ds(s * INIT_ROWS, INIT_ROWS)])
    plsc.subcore_barrier()

    def start(k, buf, sem):
        pltpu.async_copy(atom_hbm.at[gidx_g.at[k]], buf, sem)

    def group(g, carry):
        base = tile_base + g * IGRP
        pltpu.sync_copy(src2d.at[pl.ds(base, IGRP)], gidx_g)
        pltpu.sync_copy(dst2d.at[pl.ds(base, IGRP)], didx_g)
        start(0, rows0, sem0)

        def pair(k2, carry2):
            k = 2 * k2
            start(k + 1, rows1, sem1)
            _wait(atom_hbm, rows0, sem0)
            pltpu.sync_copy(rows0, acc.at[didx_g.at[k]], add=True)

            @pl.when(k + 2 < IGRP)
            def _():
                start(k + 2, rows0, sem0)

            _wait(atom_hbm, rows1, sem1)
            pltpu.sync_copy(rows1, acc.at[didx_g.at[k + 1]], add=True)
            return carry2

        lax.fori_loop(0, IGRP // 2, pair, 0)
        return carry

    lax.fori_loop(0, ngroups, group, 0)
    plsc.subcore_barrier()
    pltpu.sync_copy(acc.at[pl.ds(s * INIT_ROWS, INIT_ROWS)],
                    hpart.at[c, pl.ds(s * INIT_ROWS, INIT_ROWS)])


@functools.cache
def _sc_h():
    return pl.kernel(
        _sc_h_body,
        out_type=jax.ShapeDtypeStruct((NC, ACC_ROWS, D_ATOM), jnp.float32),
        mesh=_mesh(),
        scratch_types=[pltpu.VMEM((IGRP, CHUNK), jnp.int32),
                       pltpu.VMEM((IGRP, CHUNK), jnp.int32),
                       pltpu.VMEM((CHUNK, D_ATOM), jnp.float32),
                       pltpu.VMEM((CHUNK, D_ATOM), jnp.float32),
                       pltpu.VMEM_SHARED((ACC_ROWS, D_ATOM), jnp.float32),
                       pltpu.SemaphoreType.DMA,
                       pltpu.SemaphoreType.DMA],
    )


def _sc_gather_body(h_hbm, i2d, j2d, hgi_out, hgj_out,
                    idx_g, rows0, rows1, htbl, sem0, sem1):
    c = lax.axis_index("c")
    s = lax.axis_index("s")
    pltpu.sync_copy(h_hbm.at[pl.ds(s * INIT_ROWS, INIT_ROWS)],
                    htbl.at[pl.ds(s * INIT_ROWS, INIT_ROWS)])
    plsc.subcore_barrier()

    def start(k, buf, sem):
        pltpu.async_copy(htbl.at[idx_g.at[k]], buf, sem)

    def write(k_glob, buf):
        base = k_glob * CHUNK

        @pl.when(c == 0)
        def _():
            pltpu.sync_copy(buf, hgi_out.at[pl.ds(base, CHUNK)])

        @pl.when(c == 1)
        def _():
            pltpu.sync_copy(buf, hgj_out.at[pl.ds(base, CHUNK)])

    def group(g, carry):
        base = s * CPT_C + g * IGRP

        @pl.when(c == 0)
        def _():
            pltpu.sync_copy(i2d.at[pl.ds(base, IGRP)], idx_g)

        @pl.when(c == 1)
        def _():
            pltpu.sync_copy(j2d.at[pl.ds(base, IGRP)], idx_g)

        start(0, rows0, sem0)

        def pair(k2, carry2):
            k = 2 * k2
            start(k + 1, rows1, sem1)
            _wait(h_hbm, rows0, sem0)
            write(base + k, rows0)

            @pl.when(k + 2 < IGRP)
            def _():
                start(k + 2, rows0, sem0)

            _wait(h_hbm, rows1, sem1)
            write(base + k + 1, rows1)
            return carry2

        lax.fori_loop(0, IGRP // 2, pair, 0)
        return carry

    lax.fori_loop(0, CPT_C // IGRP, group, 0)


@functools.cache
def _sc_gather():
    return pl.kernel(
        _sc_gather_body,
        out_type=[jax.ShapeDtypeStruct((E_PAD, D_ATOM), jnp.float32),
                  jax.ShapeDtypeStruct((E_PAD, D_ATOM), jnp.float32)],
        mesh=_mesh(),
        scratch_types=[pltpu.VMEM((IGRP, CHUNK), jnp.int32),
                       pltpu.VMEM((CHUNK, D_ATOM), jnp.float32),
                       pltpu.VMEM((CHUNK, D_ATOM), jnp.float32),
                       pltpu.VMEM_SHARED((ACC_ROWS, D_ATOM), jnp.float32),
                       pltpu.SemaphoreType.DMA,
                       pltpu.SemaphoreType.DMA],
    )


def _sc_a1_body(pa_hbm, ps2d, zeros_hbm, dep_hbm, a1part,
                didx_g, rows0, rows1, acc, sem0, sem1):
    c = lax.axis_index("c")
    s = lax.axis_index("s")
    w = c * NS + s
    pltpu.sync_copy(zeros_hbm.at[pl.ds(s * INIT_ROWS, INIT_ROWS)],
                    acc.at[pl.ds(s * INIT_ROWS, INIT_ROWS)])
    plsc.subcore_barrier()

    def start(base_row, k, buf, sem):
        pltpu.async_copy(pa_hbm.at[pl.ds((base_row + k) * CHUNK, CHUNK)],
                         buf, sem)

    def group(g, carry):
        base = w * CPT_W + g * IGRP
        pltpu.sync_copy(ps2d.at[pl.ds(base, IGRP)], didx_g)
        start(base, 0, rows0, sem0)

        def pair(k2, carry2):
            k = 2 * k2
            start(base, k + 1, rows1, sem1)
            _wait(pa_hbm, rows0, sem0)
            pltpu.sync_copy(rows0, acc.at[didx_g.at[k]], add=True)

            @pl.when(k + 2 < IGRP)
            def _():
                start(base, k + 2, rows0, sem0)

            _wait(pa_hbm, rows1, sem1)
            pltpu.sync_copy(rows1, acc.at[didx_g.at[k + 1]], add=True)
            return carry2

        lax.fori_loop(0, IGRP // 2, pair, 0)
        return carry

    lax.fori_loop(0, CPT_W // IGRP, group, 0)
    plsc.subcore_barrier()
    pltpu.sync_copy(acc.at[pl.ds(s * INIT_ROWS, INIT_ROWS)],
                    a1part.at[c, pl.ds(s * INIT_ROWS, INIT_ROWS)])


@functools.cache
def _sc_a1():
    return pl.kernel(
        _sc_a1_body,
        out_type=jax.ShapeDtypeStruct((NC, ACC_ROWS, H), jnp.float32),
        mesh=_mesh(),
        scratch_types=[pltpu.VMEM((IGRP, CHUNK), jnp.int32),
                       pltpu.VMEM((CHUNK, H), jnp.float32),
                       pltpu.VMEM((CHUNK, H), jnp.float32),
                       pltpu.VMEM_SHARED((ACC_ROWS, H), jnp.float32),
                       pltpu.SemaphoreType.DMA,
                       pltpu.SemaphoreType.DMA],
    )


def _papp_body(pf_ref, wpaT, bpa, wppT, bpp, pa_ref, p1_ref):
    pf = pf_ref[...]
    pa = jnp.dot(pf, wpaT[...], preferred_element_type=jnp.float32)
    pa_ref[...] = jnp.maximum(pa + bpa[...], 0.0)
    p1 = jnp.dot(pf, wppT[...], preferred_element_type=jnp.float32)
    p1_ref[...] = jnp.maximum(p1 + bpp[...], 0.0).astype(jnp.bfloat16)


_PA_BLK = 3200


def _tc_papp(pf, WpaT, bpa, WppT, bpp):
    full = lambda r, cdim: pl.BlockSpec((r, cdim), lambda i: (0, 0))
    return pl.pallas_call(
        _papp_body,
        grid=(N_EDGES // _PA_BLK,),
        in_specs=[pl.BlockSpec((_PA_BLK, D_PAIR), lambda i: (i, 0)),
                  full(D_PAIR, H), full(1, H), full(D_PAIR, H), full(1, H)],
        out_specs=[pl.BlockSpec((_PA_BLK, H), lambda i: (i, 0)),
                   pl.BlockSpec((_PA_BLK, H), lambda i: (i, 0))],
        out_shape=[jax.ShapeDtypeStruct((E_PAD, H), jnp.float32),
                   jax.ShapeDtypeStruct((N_EDGES, H), jnp.bfloat16)],
    )(pf, WpaT, bpa, WppT, bpp)


def _hsum_body(hp0_ref, hp1_ref, waaT, baa, h_ref, a0_ref):
    h = hp0_ref[0] + hp1_ref[0]
    h_ref[...] = h
    a0 = jnp.dot(h, waaT[...], preferred_element_type=jnp.float32) + baa[...]
    a0_ref[...] = jnp.maximum(a0, 0.0)


_HS_BLK = 128


def _tc_hsum(hpart, WaaT, baa):
    return pl.pallas_call(
        _hsum_body,
        grid=(ACC_ROWS // _HS_BLK,),
        in_specs=[pl.BlockSpec((1, _HS_BLK, D_ATOM), lambda i: (0, i, 0)),
                  pl.BlockSpec((1, _HS_BLK, D_ATOM), lambda i: (1, i, 0)),
                  pl.BlockSpec((D_ATOM, H), lambda i: (0, 0)),
                  pl.BlockSpec((1, H), lambda i: (0, 0))],
        out_specs=[pl.BlockSpec((_HS_BLK, D_ATOM), lambda i: (i, 0)),
                   pl.BlockSpec((_HS_BLK, H), lambda i: (i, 0))],
        out_shape=[jax.ShapeDtypeStruct((ACC_ROWS, D_ATOM), jnp.float32),
                   jax.ShapeDtypeStruct((ACC_ROWS, H), jnp.float32)],
    )(hpart, hpart, WaaT, baa)


def _atom_body(a0_ref, a1p0_ref, a1p1_ref, wa0T, wa1T, batom, out_ref):
    a1 = a1p0_ref[0] + a1p1_ref[0]
    x = (jnp.dot(a0_ref[...], wa0T[...], preferred_element_type=jnp.float32)
         + jnp.dot(a1, wa1T[...], preferred_element_type=jnp.float32)
         + batom[...])
    out_ref[...] = jnp.maximum(x, 0.0)


_ATOM_BLK = 1000


def _tc_atom(a0, a1part, Wa0T, Wa1T, batom):
    full = lambda r, cdim: pl.BlockSpec((r, cdim), lambda i: (0, 0))
    return pl.pallas_call(
        _atom_body,
        grid=(N_NODES // _ATOM_BLK,),
        in_specs=[pl.BlockSpec((_ATOM_BLK, H), lambda i: (i, 0)),
                  pl.BlockSpec((1, _ATOM_BLK, H), lambda i: (0, i, 0)),
                  pl.BlockSpec((1, _ATOM_BLK, H), lambda i: (1, i, 0)),
                  full(H, H), full(H, H), full(1, H)],
        out_specs=pl.BlockSpec((_ATOM_BLK, H), lambda i: (i, 0)),
        out_shape=jax.ShapeDtypeStruct((N_NODES, H), jnp.float32),
    )(a0, a1part, a1part, Wa0T, Wa1T, batom)


def _pair_body(hgi_ref, hgj_ref, p1_ref, w1T, w2T, bap,
               wp0T, wp1T, bpair, out_ref):
    hgi = hgi_ref[...]
    hgj = hgj_ref[...]

    def mm(a, b):
        return jnp.dot(a, b[...], preferred_element_type=jnp.float32)

    p0 = (jnp.maximum(mm(hgi, w1T) + mm(hgj, w2T) + bap[...], 0.0)
          + jnp.maximum(mm(hgj, w1T) + mm(hgi, w2T) + bap[...], 0.0))
    p1 = p1_ref[...].astype(jnp.float32)
    x = (jnp.dot(p0, wp0T[...], preferred_element_type=jnp.float32)
         + jnp.dot(p1, wp1T[...], preferred_element_type=jnp.float32)
         + bpair[...])
    out_ref[...] = jnp.maximum(x, 0.0)


_PAIR_BLK = 1280


def _tc_pair(hgi, hgj, p1, W1T, W2T, bap, Wp0T, Wp1T, bpair):
    full = lambda r, cdim: pl.BlockSpec((r, cdim), lambda i: (0, 0))
    return pl.pallas_call(
        _pair_body,
        grid=(N_EDGES // _PAIR_BLK,),
        in_specs=[pl.BlockSpec((_PAIR_BLK, D_ATOM), lambda i: (i, 0)),
                  pl.BlockSpec((_PAIR_BLK, D_ATOM), lambda i: (i, 0)),
                  pl.BlockSpec((_PAIR_BLK, H), lambda i: (i, 0)),
                  full(D_ATOM, H), full(D_ATOM, H), full(1, H),
                  full(H, H), full(H, H), full(1, H)],
        out_specs=pl.BlockSpec((_PAIR_BLK, H), lambda i: (i, 0)),
        out_shape=jax.ShapeDtypeStruct((N_EDGES, H), jnp.float32),
    )(hgi, hgj, p1, W1T, W2T, bap, Wp0T, Wp1T, bpair)


def _pad_idx(x, value):
    return jnp.concatenate(
        [x, jnp.full((E_PAD - N_EDGES,), value, jnp.int32)]
    ).reshape(NROWS, CHUNK)


def kernel(atom_features, pair_features, atom_to_pair, pair_split, edge_index,
           W_aa, b_aa, W_pp, b_pp, W_ap, b_ap, W_pa, b_pa,
           W_atom, b_atom, W_pair, b_pair):
    E_HALF = NS * CPT_H0 * CHUNK
    src = edge_index[0]
    src_adj = jnp.concatenate([src[:E_HALF], src[E_HALF:] + N_NODES])
    af2 = jnp.concatenate([atom_features, atom_features])
    src2d = _pad_idx(src_adj, N_NODES)
    dst2d = _pad_idx(edge_index[1], DUMMY)
    ps2d = _pad_idx(pair_split, DUMMY)
    i2d = _pad_idx(atom_to_pair[:, 0], 0)
    j2d = _pad_idx(atom_to_pair[:, 1], 0)
    zeros = jnp.zeros((ACC_ROWS, D_ATOM), jnp.float32)
    bf = lambda w: w.astype(jnp.bfloat16)

    hpart = _sc_h()(af2, src2d, dst2d, zeros)
    pa, p1 = _tc_papp(pair_features, W_pa.T, b_pa[None],
                      W_pp.T, b_pp[None])
    h, a0 = _tc_hsum(hpart, W_aa.T, b_aa[None])
    hgi, hgj = _sc_gather()(h, i2d, j2d)
    a1part = _sc_a1()(pa, ps2d, zeros, hgi)

    next_atom = _tc_atom(a0, a1part, W_atom[:, :H].T, W_atom[:, H:].T,
                         b_atom[None])
    next_pair = _tc_pair(hgi, hgj, p1,
                         W_ap[:, :D_ATOM].T, W_ap[:, D_ATOM:].T,
                         b_ap[None],
                         W_pair[:, :H].T, W_pair[:, H:].T,
                         b_pair[None])
    return (next_atom, next_pair)

# --- scband reference (transcript-rebuilt; emitter-appended) ---
"""Pipeline reference for scband-weave-module-80032420594371 (READ-ONLY COPY).

The authoritative reference and input builder live on the scoring server;
editing this copy changes nothing except your own understanding.
"""

import jax, jax.numpy as jnp
import numpy as np

N_NODES = 10000
N_EDGES = 320000
D_ATOM = 128
D_PAIR = 16
H = 128


def _linear_params(key, out_f, in_f):
    s = 1.0 / np.sqrt(in_f)
    kw, kb = jax.random.split(key)
    W = jax.random.uniform(kw, (out_f, in_f), jnp.float32, -s, s)
    b = jax.random.uniform(kb, (out_f,), jnp.float32, -s, s)
    return W, b


def setup_inputs(seed: int = 0) -> dict:
    key = jax.random.key(seed)
    ks = jax.random.split(key, 12)
    atom_features = jax.random.normal(ks[0], (N_NODES, D_ATOM), dtype=jnp.float32)
    pair_features = jax.random.normal(ks[1], (N_EDGES, D_PAIR), dtype=jnp.float32)
    atom_to_pair = jax.random.randint(ks[2], (N_EDGES, 2), 0, N_NODES, dtype=jnp.int32)
    pair_split = jnp.sort(jax.random.randint(ks[3], (N_EDGES,), 0, N_NODES, dtype=jnp.int32))
    edge_index = jax.random.randint(ks[4], (2, N_EDGES), 0, N_NODES, dtype=jnp.int32)
    W_aa, b_aa = _linear_params(ks[5], H, D_ATOM)
    W_pp, b_pp = _linear_params(ks[6], H, D_PAIR)
    W_ap, b_ap = _linear_params(ks[7], H, 2 * D_ATOM)
    W_pa, b_pa = _linear_params(ks[8], H, D_PAIR)
    W_atom, b_atom = _linear_params(ks[9], H, 2 * H)
    W_pair, b_pair = _linear_params(ks[10], H, 2 * H)
    return {
        'atom_features': atom_features,
        'pair_features': pair_features,
        'atom_to_pair': atom_to_pair,
        'pair_split': pair_split,
        'edge_index': edge_index,
        'W_aa': W_aa, 'b_aa': b_aa,
        'W_pp': W_pp, 'b_pp': b_pp,
        'W_ap': W_ap, 'b_ap': b_ap,
        'W_pa': W_pa, 'b_pa': b_pa,
        'W_atom': W_atom, 'b_atom': b_atom,
        'W_pair': W_pair, 'b_pair': b_pair,
    }


def reference(atom_features, pair_features, atom_to_pair, pair_split, edge_index,
              W_aa, b_aa, W_pp, b_pp, W_ap, b_ap, W_pa, b_pa,
              W_atom, b_atom, W_pair, b_pair):
    n_nodes = atom_features.shape[0]
    n_pairs = pair_features.shape[0]
    src = edge_index[0]
    dst = edge_index[1]
    # GCN message passing: h[i] = sum over incoming edges of atom_features[src]
    h = jax.ops.segment_sum(atom_features[src], dst, num_segments=n_nodes)
    # atom_to_atom
    a0 = jax.nn.relu(h @ W_aa.T + b_aa)
    # pair_to_atom: linear+relu on pair features, then segment_sum by pair_split
    pa = jax.nn.relu(pair_features @ W_pa.T + b_pa)
    a1 = jax.ops.segment_sum(pa, pair_split, num_segments=n_nodes)
    a = jnp.concatenate([a0, a1], axis=1)
    next_atom = jax.nn.relu(a @ W_atom.T + b_atom)
    # atom_to_pair: gather pairs of updated atom features
    ap_ij_in = h[atom_to_pair].reshape(n_pairs, -1)
    AP_ij = jax.nn.relu(ap_ij_in @ W_ap.T + b_ap)
    ap_ji_in = h[atom_to_pair[:, ::-1]].reshape(n_pairs, -1)
    AP_ji = jax.nn.relu(ap_ji_in @ W_ap.T + b_ap)
    p0 = AP_ij + AP_ji
    # pair_to_pair
    p1 = jax.nn.relu(pair_features @ W_pp.T + b_pp)
    p = jnp.concatenate([p0, p1], axis=1)
    next_pair = jax.nn.relu(p @ W_pair.T + b_pair)
    return (next_atom, next_pair)

if __name__ == "__main__":
    import jax
    _d = setup_inputs()
    print(jax.jit(kernel)(*tuple(_d.values())))

</pallas_src>

<mosaic_0001>
#map = affine_map<(d0, d1) -> (0, 0)>
#map1 = affine_map<(d0, d1) -> (0, 0, 0)>
module attributes {stable_mosaic.version = 14 : i64} {
  func.func @_sc_a1_body(%arg0: i32, %arg1: i32, %arg2: memref<327680x128xf32, #tpu.memory_space<hbm>>, %arg3: memref<2560x128xi32, #tpu.memory_space<hbm>>, %arg4: memref<10112x128xf32, #tpu.memory_space<hbm>>, %arg5: memref<327680x128xf32, #tpu.memory_space<hbm>>, %arg6: memref<2x10112x128xf32, #tpu.memory_space<hbm>>, %arg7: memref<16x128xi32, #tpu.memory_space<vmem>>, %arg8: memref<128x128xf32, #tpu.memory_space<vmem>>, %arg9: memref<128x128xf32, #tpu.memory_space<vmem>>, %arg10: memref<10112x128xf32, #tpu.memory_space<vmem_shared>>, %arg11: memref<!tpu.dma_semaphore, #tpu.memory_space<semaphore_mem>>, %arg12: memref<!tpu.dma_semaphore, #tpu.memory_space<semaphore_mem>>) attributes {dimension_semantics = [#tpu.dimension_semantics<core_parallel>, #tpu.dimension_semantics<subcore_parallel>], iteration_bounds = array<i64: 2, 16>, scalar_prefetch = 0 : i64, scratch_operands = 6 : i64, tpu.core_type = #tpu.core_type<sc_vector_subcore>, window_params = [{transform_indices = #map}, {transform_indices = #map}, {transform_indices = #map}, {transform_indices = #map}, {transform_indices = #map1}]} {
    %mul3A = arith.constant 16 : i32
    %mul3A_0 = arith.muli %arg0, %mul3A : i32
    %add3A = arith.addi %mul3A_0, %arg1 : i32
    %mul3A_1 = arith.constant 632 : i32
    %mul3A_2 = arith.muli %arg1, %mul3A_1 : i32
    %mul3A_3 = arith.constant 632 : i32
    %mul3A_4 = arith.muli %arg1, %mul3A_3 : i32
    "tpu.region"() ({
      %run_scoped3A = tpu.sem_alloc : memref<!tpu.dma_semaphore, #tpu.memory_space<semaphore_mem>>
      %dma_start3A = arith.constant 0 : i32
      %dma_start3A_15 = tpu.memref_slice %arg10[%mul3A_4, %dma_start3A] : memref<10112x128xf32, #tpu.memory_space<vmem_shared>> -> memref<632x128xf32, #tpu.memory_space<vmem_shared>>
      %dma_start3A_16 = arith.constant 0 : i32
      %dma_start3A_17 = tpu.memref_slice %arg4[%mul3A_2, %dma_start3A_16] : memref<10112x128xf32, #tpu.memory_space<hbm>> -> memref<632x128xf32, #tpu.memory_space<hbm>>
      tpu.enqueue_dma source(%dma_start3A_17 : memref<632x128xf32, #tpu.memory_space<hbm>>) target(%dma_start3A_15 : memref<632x128xf32, #tpu.memory_space<vmem_shared>>) target_semaphore(%run_scoped3A : memref<!tpu.dma_semaphore, #tpu.memory_space<semaphore_mem>>)
      %dma_wait3A = arith.constant 0 : i32
      %dma_wait3A_18 = tpu.memref_slice %arg10[%mul3A_4, %dma_wait3A] : memref<10112x128xf32, #tpu.memory_space<vmem_shared>> -> memref<632x128xf32, #tpu.memory_space<vmem_shared>>
      %dma_wait3A_19 = arith.constant 0 : i32
      %dma_wait3A_20 = tpu.memref_slice %arg4[%mul3A_2, %dma_wait3A_19] : memref<10112x128xf32, #tpu.memory_space<hbm>> -> memref<632x128xf32, #tpu.memory_space<hbm>>
      tpu.wait_dma2 semaphore(%run_scoped3A : memref<!tpu.dma_semaphore, #tpu.memory_space<semaphore_mem>>) src(%dma_wait3A_20 : memref<632x128xf32, #tpu.memory_space<hbm>>) dst(%dma_wait3A_18 : memref<632x128xf32, #tpu.memory_space<vmem_shared>>)
      tpu.yield
    }) : () -> ()
    %barrier3A = arith.constant 0 : index
    tpu.barrier barrier_id(%barrier3A)
    %scan3A = arith.constant 0 : i32
    %scan3A_5 = arith.constant 0 : i32
    %scan3A_6 = arith.constant 5 : i32
    %scan3A_7 = arith.addi %scan3A_5, %scan3A_6 : i32
    %scan3A_8 = arith.constant 1 : i32
    scf.for %scan3A_15 = %scan3A_5 to %scan3A_7 step %scan3A_8  : i32 {
      %mul3A_16 = arith.constant 80 : i32
      %mul3A_17 = arith.muli %add3A, %mul3A_16 : i32
      %mul3A_18 = arith.constant 16 : i32
      %mul3A_19 = arith.muli %scan3A_15, %mul3A_18 : i32
      %add3A_20 = arith.addi %mul3A_17, %mul3A_19 : i32
      "tpu.region"() ({
        %run_scoped3A = tpu.sem_alloc : memref<!tpu.dma_semaphore, #tpu.memory_space<semaphore_mem>>
        %dma_start3A_34 = arith.constant 0 : i32
        %dma_start3A_35 = tpu.memref_slice %arg3[%add3A_20, %dma_start3A_34] : memref<2560x128xi32, #tpu.memory_space<hbm>> -> memref<16x128xi32, #tpu.memory_space<hbm>>
        %dma_start3A_36 = arith.constant 0 : i32
        %dma_start3A_37 = tpu.memref_slice %arg3[%add3A_20, %dma_start3A_36] : memref<2560x128xi32, #tpu.memory_space<hbm>> -> memref<16x128xi32, #tpu.memory_space<hbm>>
        tpu.enqueue_dma source(%dma_start3A_37 : memref<16x128xi32, #tpu.memory_space<hbm>>) target(%arg7 : memref<16x128xi32, #tpu.memory_space<vmem>>) target_semaphore(%run_scoped3A : memref<!tpu.dma_semaphore, #tpu.memory_space<semaphore_mem>>)
        %dma_wait3A = arith.constant 0 : i32
        %dma_wait3A_38 = tpu.memref_slice %arg3[%add3A_20, %dma_wait3A] : memref<2560x128xi32, #tpu.memory_space<hbm>> -> memref<16x128xi32, #tpu.memory_space<hbm>>
        %dma_wait3A_39 = arith.constant 0 : i32
        %dma_wait3A_40 = tpu.memref_slice %arg3[%add3A_20, %dma_wait3A_39] : memref<2560x128xi32, #tpu.memory_space<hbm>> -> memref<16x128xi32, #tpu.memory_space<hbm>>
        tpu.wait_dma2 semaphore(%run_scoped3A : memref<!tpu.dma_semaphore, #tpu.memory_space<semaphore_mem>>) src(%dma_wait3A_40 : memref<16x128xi32, #tpu.memory_space<hbm>>) dst(%arg7 : memref<16x128xi32, #tpu.memory_space<vmem>>)
        tpu.yield
      }) : () -> ()
      %add3A_21 = arith.constant 0 : i32
      %add3A_22 = arith.addi %add3A_20, %add3A_21 : i32
      %mul3A_23 = arith.constant 128 : i32
      %mul3A_24 = arith.muli %add3A_22, %mul3A_23 : i32
      %dma_start3A = arith.constant 0 : i32
      %dma_start3A_25 = tpu.memref_slice %arg2[%mul3A_24, %dma_start3A] : memref<327680x128xf32, #tpu.memory_space<hbm>> -> memref<128x128xf32, #tpu.memory_space<hbm>>
      %dma_start3A_26 = arith.constant 0 : i32
      %dma_start3A_27 = tpu.memref_slice %arg2[%mul3A_24, %dma_start3A_26] : memref<327680x128xf32, #tpu.memory_space<hbm>> -> memref<128x128xf32, #tpu.memory_space<hbm>>
      tpu.enqueue_dma source(%dma_start3A_27 : memref<128x128xf32, #tpu.memory_space<hbm>>) target(%arg8 : memref<128x128xf32, #tpu.memory_space<vmem>>) target_semaphore(%arg11 : memref<!tpu.dma_semaphore, #tpu.memory_space<semaphore_mem>>)
      %scan3A_28 = arith.constant 0 : i32
      %scan3A_29 = arith.constant 0 : i32
      %scan3A_30 = arith.constant 8 : i32
      %scan3A_31 = arith.addi %scan3A_29, %scan3A_30 : i32
      %scan3A_32 = arith.constant 1 : i32
      scf.for %scan3A_34 = %scan3A_29 to %scan3A_31 step %scan3A_32  : i32 {
        %mul3A_35 = arith.constant 2 : i32
        %mul3A_36 = arith.muli %mul3A_35, %scan3A_34 : i32
        %add3A_37 = arith.constant 1 : i32
        %add3A_38 = arith.addi %mul3A_36, %add3A_37 : i32
        %add3A_39 = arith.addi %add3A_20, %add3A_38 : i32
        %mul3A_40 = arith.constant 128 : i32
        %mul3A_41 = arith.muli %add3A_39, %mul3A_40 : i32
        %dma_start3A_42 = arith.constant 0 : i32
        %dma_start3A_43 = tpu.memref_slice %arg2[%mul3A_41, %dma_start3A_42] : memref<327680x128xf32, #tpu.memory_space<hbm>> -> memref<128x128xf32, #tpu.memory_space<hbm>>
        %dma_start3A_44 = arith.constant 0 : i32
        %dma_start3A_45 = tpu.memref_slice %arg2[%mul3A_41, %dma_start3A_44] : memref<327680x128xf32, #tpu.memory_space<hbm>> -> memref<128x128xf32, #tpu.memory_space<hbm>>
        tpu.enqueue_dma source(%dma_start3A_45 : memref<128x128xf32, #tpu.memory_space<hbm>>) target(%arg9 : memref<128x128xf32, #tpu.memory_space<vmem>>) target_semaphore(%arg12 : memref<!tpu.dma_semaphore, #tpu.memory_space<semaphore_mem>>)
        %dma_wait3A = arith.constant 0 : i32
        %dma_wait3A_46 = arith.constant 0 : i32
        %dma_wait3A_47 = tpu.memref_slice %arg2[%dma_wait3A, %dma_wait3A_46] : memref<327680x128xf32, #tpu.memory_space<hbm>> -> memref<128x128xf32, #tpu.memory_space<hbm>>
        %dma_wait3A_48 = arith.constant 0 : i32
        %dma_wait3A_49 = arith.constant 0 : i32
        %dma_wait3A_50 = tpu.memref_slice %arg2[%dma_wait3A_48, %dma_wait3A_49] : memref<327680x128xf32, #tpu.memory_space<hbm>> -> memref<128x128xf32, #tpu.memory_space<hbm>>
        tpu.wait_dma2 semaphore(%arg11 : memref<!tpu.dma_semaphore, #tpu.memory_space<semaphore_mem>>) src(%dma_wait3A_50 : memref<128x128xf32, #tpu.memory_space<hbm>>) dst(%arg8 : memref<128x128xf32, #tpu.memory_space<vmem>>)
        "tpu.region"() ({
          %run_scoped3A = tpu.sem_alloc : memref<!tpu.dma_semaphore, #tpu.memory_space<semaphore_mem>>
          %dma_start3A_63 = arith.constant 0 : i32
          %dma_start3A_64 = tpu.memref_slice %arg7[%mul3A_36, %dma_start3A_63] : memref<16x128xi32, #tpu.memory_space<vmem>> -> memref<1x128xi32, #tpu.memory_space<vmem>>
          %dma_start3A_65 = tpu.memref_squeeze %dma_start3A_64 : memref<1x128xi32, #tpu.memory_space<vmem>> -> memref<128xi32, #tpu.memory_space<vmem>>
          %dma_start3A_66 = arith.constant 0 : i32
          %dma_start3A_67 = arith.constant 0 : i32
          %dma_start3A_68 = tpu.memref_slice %arg10[%dma_start3A_66, %dma_start3A_67] : memref<10112x128xf32, #tpu.memory_space<vmem_shared>> -> memref<10112x128xf32, #tpu.memory_space<vmem_shared>>
          tpu.enqueue_indirect_dma source(%arg8 : memref<128x128xf32, #tpu.memory_space<vmem>>) target(%dma_start3A_68 : memref<10112x128xf32, #tpu.memory_space<vmem_shared>>) offsets(%dma_start3A_65 : memref<128xi32, #tpu.memory_space<vmem>>) semaphore(%run_scoped3A : memref<!tpu.dma_semaphore, #tpu.memory_space<semaphore_mem>>) {add = true}
          %dma_wait3A_69 = arith.constant 0 : i32
          %dma_wait3A_70 = tpu.memref_slice %arg7[%mul3A_36, %dma_wait3A_69] : memref<16x128xi32, #tpu.memory_space<vmem>> -> memref<1x128xi32, #tpu.memory_space<vmem>>
          %dma_wait3A_71 = tpu.memref_squeeze %dma_wait3A_70 : memref<1x128xi32, #tpu.memory_space<vmem>> -> memref<128xi32, #tpu.memory_space<vmem>>
          %dma_wait3A_72 = arith.constant 0 : i32
          %dma_wait3A_73 = arith.constant 0 : i32
          %dma_wait3A_74 = tpu.memref_slice %arg10[%dma_wait3A_72, %dma_wait3A_73] : memref<10112x128xf32, #tpu.memory_space<vmem_shared>> -> memref<10112x128xf32, #tpu.memory_space<vmem_shared>>
          tpu.wait_indirect_dma semaphore(%run_scoped3A : memref<!tpu.dma_semaphore, #tpu.memory_space<semaphore_mem>>) src(%arg8 : memref<128x128xf32, #tpu.memory_space<vmem>>) dst(%dma_wait3A_74 : memref<10112x128xf32, #tpu.memory_space<vmem_shared>>)
          tpu.yield
        }) : () -> ()
        %add3A_51 = arith.constant 2 : i32
        %add3A_52 = arith.addi %mul3A_36, %add3A_51 : i32
        %lt3A = arith.constant 16 : i32
        %lt3A_53 = arith.cmpi slt, %add3A_52, %lt3A : i32
        %convert_element_type3A = arith.extui %lt3A_53 : i1 to i32
        %cond3A = arith.constant 0 : i32
        %cond3A_54 = arith.cmpi ne, %convert_element_type3A, %cond3A : i32
        scf.if %cond3A_54 {
          %add3A_63 = arith.constant 2 : i32
          %add3A_64 = arith.addi %mul3A_36, %add3A_63 : i32
          %add3A_65 = arith.addi %add3A_20, %add3A_64 : i32
          %mul3A_66 = arith.constant 128 : i32
          %mul3A_67 = arith.muli %add3A_65, %mul3A_66 : i32
          %dma_start3A_68 = arith.constant 0 : i32
          %dma_start3A_69 = tpu.memref_slice %arg2[%mul3A_67, %dma_start3A_68] : memref<327680x128xf32, #tpu.memory_space<hbm>> -> memref<128x128xf32, #tpu.memory_space<hbm>>
          %dma_start3A_70 = arith.constant 0 : i32
          %dma_start3A_71 = tpu.memref_slice %arg2[%mul3A_67, %dma_start3A_70] : memref<327680x128xf32, #tpu.memory_space<hbm>> -> memref<128x128xf32, #tpu.memory_space<hbm>>
          tpu.enqueue_dma source(%dma_start3A_71 : memref<128x128xf32, #tpu.memory_space<hbm>>) target(%arg8 : memref<128x128xf32, #tpu.memory_space<vmem>>) target_semaphore(%arg11 : memref<!tpu.dma_semaphore, #tpu.memory_space<semaphore_mem>>)
        } else {
        }
        %dma_wait3A_55 = arith.constant 0 : i32
        %dma_wait3A_56 = arith.constant 0 : i32
        %dma_wait3A_57 = tpu.memref_slice %arg2[%dma_wait3A_55, %dma_wait3A_56] : memref<327680x128xf32, #tpu.memory_space<hbm>> -> memref<128x128xf32, #tpu.memory_space<hbm>>
        %dma_wait3A_58 = arith.constant 0 : i32
        %dma_wait3A_59 = arith.constant 0 : i32
        %dma_wait3A_60 = tpu.memref_slice %arg2[%dma_wait3A_58, %dma_wait3A_59] : memref<327680x128xf32, #tpu.memory_space<hbm>> -> memref<128x128xf32, #tpu.memory_space<hbm>>
        tpu.wait_dma2 semaphore(%arg12 : memref<!tpu.dma_semaphore, #tpu.memory_space<semaphore_mem>>) src(%dma_wait3A_60 : memref<128x128xf32, #tpu.memory_space<hbm>>) dst(%arg9 : memref<128x128xf32, #tpu.memory_space<vmem>>)
        %add3A_61 = arith.constant 1 : i32
        %add3A_62 = arith.addi %mul3A_36, %add3A_61 : i32
        "tpu.region"() ({
          %run_scoped3A = tpu.sem_alloc : memref<!tpu.dma_semaphore, #tpu.memory_space<semaphore_mem>>
          %dma_start3A_63 = arith.constant 0 : i32
          %dma_start3A_64 = tpu.memref_slice %arg7[%add3A_62, %dma_start3A_63] : memref<16x128xi32, #tpu.memory_space<vmem>> -> memref<1x128xi32, #tpu.memory_space<vmem>>
          %dma_start3A_65 = tpu.memref_squeeze %dma_start3A_64 : memref<1x128xi32, #tpu.memory_space<vmem>> -> memref<128xi32, #tpu.memory_space<vmem>>
          %dma_start3A_66 = arith.constant 0 : i32
          %dma_start3A_67 = arith.constant 0 : i32
          %dma_start3A_68 = tpu.memref_slice %arg10[%dma_start3A_66, %dma_start3A_67] : memref<10112x128xf32, #tpu.memory_space<vmem_shared>> -> memref<10112x128xf32, #tpu.memory_space<vmem_shared>>
          tpu.enqueue_indirect_dma source(%arg9 : memref<128x128xf32, #tpu.memory_space<vmem>>) target(%dma_start3A_68 : memref<10112x128xf32, #tpu.memory_space<vmem_shared>>) offsets(%dma_start3A_65 : memref<128xi32, #tpu.memory_space<vmem>>) semaphore(%run_scoped3A : memref<!tpu.dma_semaphore, #tpu.memory_space<semaphore_mem>>) {add = true}
          %dma_wait3A_69 = arith.constant 0 : i32
          %dma_wait3A_70 = tpu.memref_slice %arg7[%add3A_62, %dma_wait3A_69] : memref<16x128xi32, #tpu.memory_space<vmem>> -> memref<1x128xi32, #tpu.memory_space<vmem>>
          %dma_wait3A_71 = tpu.memref_squeeze %dma_wait3A_70 : memref<1x128xi32, #tpu.memory_space<vmem>> -> memref<128xi32, #tpu.memory_space<vmem>>
          %dma_wait3A_72 = arith.constant 0 : i32
          %dma_wait3A_73 = arith.constant 0 : i32
          %dma_wait3A_74 = tpu.memref_slice %arg10[%dma_wait3A_72, %dma_wait3A_73] : memref<10112x128xf32, #tpu.memory_space<vmem_shared>> -> memref<10112x128xf32, #tpu.memory_space<vmem_shared>>
          tpu.wait_indirect_dma semaphore(%run_scoped3A : memref<!tpu.dma_semaphore, #tpu.memory_space<semaphore_mem>>) src(%arg9 : memref<128x128xf32, #tpu.memory_space<vmem>>) dst(%dma_wait3A_74 : memref<10112x128xf32, #tpu.memory_space<vmem_shared>>)
          tpu.yield
        }) : () -> ()
      }
      %scan3A_33 = arith.constant 8 : i32
    }
    %scan3A_9 = arith.constant 5 : i32
    %barrier3A_10 = arith.constant 0 : index
    tpu.barrier barrier_id(%barrier3A_10)
    %mul3A_11 = arith.constant 632 : i32
    %mul3A_12 = arith.muli %arg1, %mul3A_11 : i32
    %mul3A_13 = arith.constant 632 : i32
    %mul3A_14 = arith.muli %arg1, %mul3A_13 : i32
    "tpu.region"() ({
      %run_scoped3A = tpu.sem_alloc : memref<!tpu.dma_semaphore, #tpu.memory_space<semaphore_mem>>
      %dma_start3A = arith.constant 0 : i32
      %dma_start3A_15 = tpu.memref_slice %arg6[%arg0, %mul3A_14, %dma_start3A] : memref<2x10112x128xf32, #tpu.memory_space<hbm>> -> memref<1x632x128xf32, #tpu.memory_space<hbm>>
      %dma_start3A_16 = tpu.memref_squeeze %dma_start3A_15 : memref<1x632x128xf32, #tpu.memory_space<hbm>> -> memref<632x128xf32, #tpu.memory_space<hbm>>
      %dma_start3A_17 = arith.constant 0 : i32
      %dma_start3A_18 = tpu.memref_slice %arg10[%mul3A_12, %dma_start3A_17] : memref<10112x128xf32, #tpu.memory_space<vmem_shared>> -> memref<632x128xf32, #tpu.memory_space<vmem_shared>>
      tpu.enqueue_dma source(%dma_start3A_18 : memref<632x128xf32, #tpu.memory_space<vmem_shared>>) target(%dma_start3A_16 : memref<632x128xf32, #tpu.memory_space<hbm>>) target_semaphore(%run_scoped3A : memref<!tpu.dma_semaphore, #tpu.memory_space<semaphore_mem>>)
      %dma_wait3A = arith.constant 0 : i32
      %dma_wait3A_19 = tpu.memref_slice %arg6[%arg0, %mul3A_14, %dma_wait3A] : memref<2x10112x128xf32, #tpu.memory_space<hbm>> -> memref<1x632x128xf32, #tpu.memory_space<hbm>>
      %dma_wait3A_20 = tpu.memref_squeeze %dma_wait3A_19 : memref<1x632x128xf32, #tpu.memory_space<hbm>> -> memref<632x128xf32, #tpu.memory_space<hbm>>
      %dma_wait3A_21 = arith.constant 0 : i32
      %dma_wait3A_22 = tpu.memref_slice %arg10[%mul3A_12, %dma_wait3A_21] : memref<10112x128xf32, #tpu.memory_space<vmem_shared>> -> memref<632x128xf32, #tpu.memory_space<vmem_shared>>
      tpu.wait_dma2 semaphore(%run_scoped3A : memref<!tpu.dma_semaphore, #tpu.memory_space<semaphore_mem>>) src(%dma_wait3A_22 : memref<632x128xf32, #tpu.memory_space<vmem_shared>>) dst(%dma_wait3A_20 : memref<632x128xf32, #tpu.memory_space<hbm>>)
      tpu.yield
    }) : () -> ()
    return
  }
}

#map = affine_map<(d0, d1) -> (0, 0)>
#map1 = affine_map<(d0, d1) -> (0, 0, 0)>
module attributes {stable_mosaic.version = 14 : i64} {
  func.func @_sc_h_body(%arg0: i32, %arg1: i32, %arg2: memref<20000x128xf32, #tpu.memory_space<hbm>>, %arg3: memref<2560x128xi32, #tpu.memory_space<hbm>>, %arg4: memref<2560x128xi32, #tpu.memory_space<hbm>>, %arg5: memref<10112x128xf32, #tpu.memory_space<hbm>>, %arg6: memref<2x10112x128xf32, #tpu.memory_space<hbm>>, %arg7: memref<16x128xi32, #tpu.memory_space<vmem>>, %arg8: memref<16x128xi32, #tpu.memory_space<vmem>>, %arg9: memref<128x128xf32, #tpu.memory_space<vmem>>, %arg10: memref<128x128xf32, #tpu.memory_space<vmem>>, %arg11: memref<10112x128xf32, #tpu.memory_space<vmem_shared>>, %arg12: memref<!tpu.dma_semaphore, #tpu.memory_space<semaphore_mem>>, %arg13: memref<!tpu.dma_semaphore, #tpu.memory_space<semaphore_mem>>) attributes {dimension_semantics = [#tpu.dimension_semantics<core_parallel>, #tpu.dimension_semantics<subcore_parallel>], iteration_bounds = array<i64: 2, 16>, scalar_prefetch = 0 : i64, scratch_operands = 7 : i64, tpu.core_type = #tpu.core_type<sc_vector_subcore>, window_params = [{transform_indices = #map}, {transform_indices = #map}, {transform_indices = #map}, {transform_indices = #map}, {transform_indices = #map1}]} {
    %eq3A = arith.constant 0 : i32
    %eq3A_0 = arith.cmpi eq, %arg0, %eq3A : i32
    %mul3A = arith.constant 128 : i32
    %mul3A_1 = arith.muli %arg1, %mul3A : i32
    %mul3A_2 = arith.constant 32 : i32
    %mul3A_3 = arith.muli %arg1, %mul3A_2 : i32
    %add3A = arith.constant 2048 : i32
    %add3A_4 = arith.addi %add3A, %mul3A_3 : i32
    %select_n3A = arith.select %eq3A_0, %mul3A_1, %add3A_4 : i32
    %eq3A_5 = arith.constant 0 : i32
    %eq3A_6 = arith.cmpi eq, %arg0, %eq3A_5 : i32
    %jit3A = arith.constant 8 : i32
    %jit3A_7 = arith.constant 2 : i32
    %select_n3A_8 = arith.select %eq3A_6, %jit3A, %jit3A_7 : i32
    %mul3A_9 = arith.constant 632 : i32
    %mul3A_10 = arith.muli %arg1, %mul3A_9 : i32
    %mul3A_11 = arith.constant 632 : i32
    %mul3A_12 = arith.muli %arg1, %mul3A_11 : i32
    "tpu.region"() ({
      %run_scoped3A = tpu.sem_alloc : memref<!tpu.dma_semaphore, #tpu.memory_space<semaphore_mem>>
      %dma_start3A = arith.constant 0 : i32
      %dma_start3A_27 = tpu.memref_slice %arg11[%mul3A_12, %dma_start3A] : memref<10112x128xf32, #tpu.memory_space<vmem_shared>> -> memref<632x128xf32, #tpu.memory_space<vmem_shared>>
      %dma_start3A_28 = arith.constant 0 : i32
      %dma_start3A_29 = tpu.memref_slice %arg5[%mul3A_10, %dma_start3A_28] : memref<10112x128xf32, #tpu.memory_space<hbm>> -> memref<632x128xf32, #tpu.memory_space<hbm>>
      tpu.enqueue_dma source(%dma_start3A_29 : memref<632x128xf32, #tpu.memory_space<hbm>>) target(%dma_start3A_27 : memref<632x128xf32, #tpu.memory_space<vmem_shared>>) target_semaphore(%run_scoped3A : memref<!tpu.dma_semaphore, #tpu.memory_space<semaphore_mem>>)
      %dma_wait3A = arith.constant 0 : i32
      %dma_wait3A_30 = tpu.memref_slice %arg11[%mul3A_12, %dma_wait3A] : memref<10112x128xf32, #tpu.memory_space<vmem_shared>> -> memref<632x128xf32, #tpu.memory_space<vmem_shared>>
      %dma_wait3A_31 = arith.constant 0 : i32
      %dma_wait3A_32 = tpu.memref_slice %arg5[%mul3A_10, %dma_wait3A_31] : memref<10112x128xf32, #tpu.memory_space<hbm>> -> memref<632x128xf32, #tpu.memory_space<hbm>>
      tpu.wait_dma2 semaphore(%run_scoped3A : memref<!tpu.dma_semaphore, #tpu.memory_space<semaphore_mem>>) src(%dma_wait3A_32 : memref<632x128xf32, #tpu.memory_space<hbm>>) dst(%dma_wait3A_30 : memref<632x128xf32, #tpu.memory_space<vmem_shared>>)
      tpu.yield
    }) : () -> ()
    %barrier3A = arith.constant 0 : index
    tpu.barrier barrier_id(%barrier3A)
    %while3A = arith.constant 0 : i32
    %while3A_13 = arith.constant 0 : i32
    %while3A_14 = arith.subi %select_n3A_8, %while3A_13 : i32
    %while3A_15 = arith.addi %while3A_13, %while3A_14 : i32
    %while3A_16 = arith.constant 1 : i32
    %while3A_17 = arith.divsi %while3A_14, %while3A_16 : i32
    %while3A_18 = arith.muli %while3A_17, %while3A_16 : i32
    %while3A_19 = arith.addi %while3A_13, %while3A_18 : i32
    %while3A_20 = arith.constant 1 : i32
    scf.for %while3A_27 = %while3A_13 to %while3A_19 step %while3A_20  : i32 {
      %mul3A_28 = arith.constant 16 : i32
      %mul3A_29 = arith.muli %while3A_27, %mul3A_28 : i32
      %add3A_30 = arith.addi %select_n3A, %mul3A_29 : i32
      "tpu.region"() ({
        %run_scoped3A = tpu.sem_alloc : memref<!tpu.dma_semaphore, #tpu.memory_space<semaphore_mem>>
        %dma_start3A_42 = arith.constant 0 : i32
        %dma_start3A_43 = tpu.memref_slice %arg3[%add3A_30, %dma_start3A_42] : memref<2560x128xi32, #tpu.memory_space<hbm>> -> memref<16x128xi32, #tpu.memory_space<hbm>>
        %dma_start3A_44 = arith.constant 0 : i32
        %dma_start3A_45 = tpu.memref_slice %arg3[%add3A_30, %dma_start3A_44] : memref<2560x128xi32, #tpu.memory_space<hbm>> -> memref<16x128xi32, #tpu.memory_space<hbm>>
        tpu.enqueue_dma source(%dma_start3A_45 : memref<16x128xi32, #tpu.memory_space<hbm>>) target(%arg7 : memref<16x128xi32, #tpu.memory_space<vmem>>) target_semaphore(%run_scoped3A : memref<!tpu.dma_semaphore, #tpu.memory_space<semaphore_mem>>)
        %dma_wait3A = arith.constant 0 : i32
        %dma_wait3A_46 = tpu.memref_slice %arg3[%add3A_30, %dma_wait3A] : memref<2560x128xi32, #tpu.memory_space<hbm>> -> memref<16x128xi32, #tpu.memory_space<hbm>>
        %dma_wait3A_47 = arith.constant 0 : i32
        %dma_wait3A_48 = tpu.memref_slice %arg3[%add3A_30, %dma_wait3A_47] : memref<2560x128xi32, #tpu.memory_space<hbm>> -> memref<16x128xi32, #tpu.memory_space<hbm>>
        tpu.wait_dma2 semaphore(%run_scoped3A : memref<!tpu.dma_semaphore, #tpu.memory_space<semaphore_mem>>) src(%dma_wait3A_48 : memref<16x128xi32, #tpu.memory_space<hbm>>) dst(%arg7 : memref<16x128xi32, #tpu.memory_space<vmem>>)
        tpu.yield
      }) : () -> ()
      "tpu.region"() ({
        %run_scoped3A = tpu.sem_alloc : memref<!tpu.dma_semaphore, #tpu.memory_space<semaphore_mem>>
        %dma_start3A_42 = arith.constant 0 : i32
        %dma_start3A_43 = tpu.memref_slice %arg4[%add3A_30, %dma_start3A_42] : memref<2560x128xi32, #tpu.memory_space<hbm>> -> memref<16x128xi32, #tpu.memory_space<hbm>>
        %dma_start3A_44 = arith.constant 0 : i32
        %dma_start3A_45 = tpu.memref_slice %arg4[%add3A_30, %dma_start3A_44] : memref<2560x128xi32, #tpu.memory_space<hbm>> -> memref<16x128xi32, #tpu.memory_space<hbm>>
        tpu.enqueue_dma source(%dma_start3A_45 : memref<16x128xi32, #tpu.memory_space<hbm>>) target(%arg8 : memref<16x128xi32, #tpu.memory_space<vmem>>) target_semaphore(%run_scoped3A : memref<!tpu.dma_semaphore, #tpu.memory_space<semaphore_mem>>)
        %dma_wait3A = arith.constant 0 : i32
        %dma_wait3A_46 = tpu.memref_slice %arg4[%add3A_30, %dma_wait3A] : memref<2560x128xi32, #tpu.memory_space<hbm>> -> memref<16x128xi32, #tpu.memory_space<hbm>>
        %dma_wait3A_47 = arith.constant 0 : i32
        %dma_wait3A_48 = tpu.memref_slice %arg4[%add3A_30, %dma_wait3A_47] : memref<2560x128xi32, #tpu.memory_space<hbm>> -> memref<16x128xi32, #tpu.memory_space<hbm>>
        tpu.wait_dma2 semaphore(%run_scoped3A : memref<!tpu.dma_semaphore, #tpu.memory_space<semaphore_mem>>) src(%dma_wait3A_48 : memref<16x128xi32, #tpu.memory_space<hbm>>) dst(%arg8 : memref<16x128xi32, #tpu.memory_space<vmem>>)
        tpu.yield
      }) : () -> ()
      %dma_start3A = arith.constant 0 : i32
      %dma_start3A_31 = arith.constant 0 : i32
      %dma_start3A_32 = tpu.memref_slice %arg7[%dma_start3A, %dma_start3A_31] : memref<16x128xi32, #tpu.memory_space<vmem>> -> memref<1x128xi32, #tpu.memory_space<vmem>>
      %dma_start3A_33 = tpu.memref_squeeze %dma_start3A_32 : memref<1x128xi32, #tpu.memory_space<vmem>> -> memref<128xi32, #tpu.memory_space<vmem>>
      %dma_start3A_34 = arith.constant 0 : i32
      %dma_start3A_35 = arith.constant 0 : i32
      %dma_start3A_36 = tpu.memref_slice %arg2[%dma_start3A_34, %dma_start3A_35] : memref<20000x128xf32, #tpu.memory_space<hbm>> -> memref<20000x128xf32, #tpu.memory_space<hbm>>
      tpu.enqueue_indirect_dma source(%dma_start3A_36 : memref<20000x128xf32, #tpu.memory_space<hbm>>) target(%arg9 : memref<128x128xf32, #tpu.memory_space<vmem>>) offsets(%dma_start3A_33 : memref<128xi32, #tpu.memory_space<vmem>>) semaphore(%arg12 : memref<!tpu.dma_semaphore, #tpu.memory_space<semaphore_mem>>)
      %scan3A = arith.constant 0 : i32
      %scan3A_37 = arith.constant 0 : i32
      %scan3A_38 = arith.constant 8 : i32
      %scan3A_39 = arith.addi %scan3A_37, %scan3A_38 : i32
      %scan3A_40 = arith.constant 1 : i32
      scf.for %scan3A_42 = %scan3A_37 to %scan3A_39 step %scan3A_40  : i32 {
        %mul3A_43 = arith.constant 2 : i32
        %mul3A_44 = arith.muli %mul3A_43, %scan3A_42 : i32
        %add3A_45 = arith.constant 1 : i32
        %add3A_46 = arith.addi %mul3A_44, %add3A_45 : i32
        %dma_start3A_47 = arith.constant 0 : i32
        %dma_start3A_48 = tpu.memref_slice %arg7[%add3A_46, %dma_start3A_47] : memref<16x128xi32, #tpu.memory_space<vmem>> -> memref<1x128xi32, #tpu.memory_space<vmem>>
        %dma_start3A_49 = tpu.memref_squeeze %dma_start3A_48 : memref<1x128xi32, #tpu.memory_space<vmem>> -> memref<128xi32, #tpu.memory_space<vmem>>
        %dma_start3A_50 = arith.constant 0 : i32
        %dma_start3A_51 = arith.constant 0 : i32
        %dma_start3A_52 = tpu.memref_slice %arg2[%dma_start3A_50, %dma_start3A_51] : memref<20000x128xf32, #tpu.memory_space<hbm>> -> memref<20000x128xf32, #tpu.memory_space<hbm>>
        tpu.enqueue_indirect_dma source(%dma_start3A_52 : memref<20000x128xf32, #tpu.memory_space<hbm>>) target(%arg10 : memref<128x128xf32, #tpu.memory_space<vmem>>) offsets(%dma_start3A_49 : memref<128xi32, #tpu.memory_space<vmem>>) semaphore(%arg13 : memref<!tpu.dma_semaphore, #tpu.memory_space<semaphore_mem>>)
        %dma_wait3A = arith.constant 0 : i32
        %dma_wait3A_53 = arith.constant 0 : i32
        %dma_wait3A_54 = tpu.memref_slice %arg2[%dma_wait3A, %dma_wait3A_53] : memref<20000x128xf32, #tpu.memory_space<hbm>> -> memref<128x128xf32, #tpu.memory_space<hbm>>
        %dma_wait3A_55 = arith.constant 0 : i32
        %dma_wait3A_56 = arith.constant 0 : i32
        %dma_wait3A_57 = tpu.memref_slice %arg2[%dma_wait3A_55, %dma_wait3A_56] : memref<20000x128xf32, #tpu.memory_space<hbm>> -> memref<128x128xf32, #tpu.memory_space<hbm>>
        tpu.wait_dma2 semaphore(%arg12 : memref<!tpu.dma_semaphore, #tpu.memory_space<semaphore_mem>>) src(%dma_wait3A_57 : memref<128x128xf32, #tpu.memory_space<hbm>>) dst(%arg9 : memref<128x128xf32, #tpu.memory_space<vmem>>)
        "tpu.region"() ({
          %run_scoped3A = tpu.sem_alloc : memref<!tpu.dma_semaphore, #tpu.memory_space<semaphore_mem>>
          %dma_start3A_70 = arith.constant 0 : i32
          %dma_start3A_71 = tpu.memref_slice %arg8[%mul3A_44, %dma_start3A_70] : memref<16x128xi32, #tpu.memory_space<vmem>> -> memref<1x128xi32, #tpu.memory_space<vmem>>
          %dma_start3A_72 = tpu.memref_squeeze %dma_start3A_71 : memref<1x128xi32, #tpu.memory_space<vmem>> -> memref<128xi32, #tpu.memory_space<vmem>>
          %dma_start3A_73 = arith.constant 0 : i32
          %dma_start3A_74 = arith.constant 0 : i32
          %dma_start3A_75 = tpu.memref_slice %arg11[%dma_start3A_73, %dma_start3A_74] : memref<10112x128xf32, #tpu.memory_space<vmem_shared>> -> memref<10112x128xf32, #tpu.memory_space<vmem_shared>>
          tpu.enqueue_indirect_dma source(%arg9 : memref<128x128xf32, #tpu.memory_space<vmem>>) target(%dma_start3A_75 : memref<10112x128xf32, #tpu.memory_space<vmem_shared>>) offsets(%dma_start3A_72 : memref<128xi32, #tpu.memory_space<vmem>>) semaphore(%run_scoped3A : memref<!tpu.dma_semaphore, #tpu.memory_space<semaphore_mem>>) {add = true}
          %dma_wait3A_76 = arith.constant 0 : i32
          %dma_wait3A_77 = tpu.memref_slice %arg8[%mul3A_44, %dma_wait3A_76] : memref<16x128xi32, #tpu.memory_space<vmem>> -> memref<1x128xi32, #tpu.memory_space<vmem>>
          %dma_wait3A_78 = tpu.memref_squeeze %dma_wait3A_77 : memref<1x128xi32, #tpu.memory_space<vmem>> -> memref<128xi32, #tpu.memory_space<vmem>>
          %dma_wait3A_79 = arith.constant 0 : i32
          %dma_wait3A_80 = arith.constant 0 : i32
          %dma_wait3A_81 = tpu.memref_slice %arg11[%dma_wait3A_79, %dma_wait3A_80] : memref<10112x128xf32, #tpu.memory_space<vmem_shared>> -> memref<10112x128xf32, #tpu.memory_space<vmem_shared>>
          tpu.wait_indirect_dma semaphore(%run_scoped3A : memref<!tpu.dma_semaphore, #tpu.memory_space<semaphore_mem>>) src(%arg9 : memref<128x128xf32, #tpu.memory_space<vmem>>) dst(%dma_wait3A_81 : memref<10112x128xf32, #tpu.memory_space<vmem_shared>>)
          tpu.yield
        }) : () -> ()
        %add3A_58 = arith.constant 2 : i32
        %add3A_59 = arith.addi %mul3A_44, %add3A_58 : i32
        %lt3A = arith.constant 16 : i32
        %lt3A_60 = arith.cmpi slt, %add3A_59, %lt3A : i32
        %convert_element_type3A = arith.extui %lt3A_60 : i1 to i32
        %cond3A = arith.constant 0 : i32
        %cond3A_61 = arith.cmpi ne, %convert_element_type3A, %cond3A : i32
        scf.if %cond3A_61 {
          %add3A_70 = arith.constant 2 : i32
          %add3A_71 = arith.addi %mul3A_44, %add3A_70 : i32
          %dma_start3A_72 = arith.constant 0 : i32
          %dma_start3A_73 = tpu.memref_slice %arg7[%add3A_71, %dma_start3A_72] : memref<16x128xi32, #tpu.memory_space<vmem>> -> memref<1x128xi32, #tpu.memory_space<vmem>>
          %dma_start3A_74 = tpu.memref_squeeze %dma_start3A_73 : memref<1x128xi32, #tpu.memory_space<vmem>> -> memref<128xi32, #tpu.memory_space<vmem>>
          %dma_start3A_75 = arith.constant 0 : i32
          %dma_start3A_76 = arith.constant 0 : i32
          %dma_start3A_77 = tpu.memref_slice %arg2[%dma_start3A_75, %dma_start3A_76] : memref<20000x128xf32, #tpu.memory_space<hbm>> -> memref<20000x128xf32, #tpu.memory_space<hbm>>
          tpu.enqueue_indirect_dma source(%dma_start3A_77 : memref<20000x128xf32, #tpu.memory_space<hbm>>) target(%arg9 : memref<128x128xf32, #tpu.memory_space<vmem>>) offsets(%dma_start3A_74 : memref<128xi32, #tpu.memory_space<vmem>>) semaphore(%arg12 : memref<!tpu.dma_semaphore, #tpu.memory_space<semaphore_mem>>)
        } else {
        }
        %dma_wait3A_62 = arith.constant 0 : i32
        %dma_wait3A_63 = arith.constant 0 : i32
        %dma_wait3A_64 = tpu.memref_slice %arg2[%dma_wait3A_62, %dma_wait3A_63] : memref<20000x128xf32, #tpu.memory_space<hbm>> -> memref<128x128xf32, #tpu.memory_space<hbm>>
        %dma_wait3A_65 = arith.constant 0 : i32
        %dma_wait3A_66 = arith.constant 0 : i32
        %dma_wait3A_67 = tpu.memref_slice %arg2[%dma_wait3A_65, %dma_wait3A_66] : memref<20000x128xf32, #tpu.memory_space<hbm>> -> memref<128x128xf32, #tpu.memory_space<hbm>>
        tpu.wait_dma2 semaphore(%arg13 : memref<!tpu.dma_semaphore, #tpu.memory_space<semaphore_mem>>) src(%dma_wait3A_67 : memref<128x128xf32, #tpu.memory_space<hbm>>) dst(%arg10 : memref<128x128xf32, #tpu.memory_space<vmem>>)
        %add3A_68 = arith.constant 1 : i32
        %add3A_69 = arith.addi %mul3A_44, %add3A_68 : i32
        "tpu.region"() ({
          %run_scoped3A = tpu.sem_alloc : memref<!tpu.dma_semaphore, #tpu.memory_space<semaphore_mem>>
          %dma_start3A_70 = arith.constant 0 : i32
          %dma_start3A_71 = tpu.memref_slice %arg8[%add3A_69, %dma_start3A_70] : memref<16x128xi32, #tpu.memory_space<vmem>> -> memref<1x128xi32, #tpu.memory_space<vmem>>
          %dma_start3A_72 = tpu.memref_squeeze %dma_start3A_71 : memref<1x128xi32, #tpu.memory_space<vmem>> -> memref<128xi32, #tpu.memory_space<vmem>>
          %dma_start3A_73 = arith.constant 0 : i32
          %dma_start3A_74 = arith.constant 0 : i32
          %dma_start3A_75 = tpu.memref_slice %arg11[%dma_start3A_73, %dma_start3A_74] : memref<10112x128xf32, #tpu.memory_space<vmem_shared>> -> memref<10112x128xf32, #tpu.memory_space<vmem_shared>>
          tpu.enqueue_indirect_dma source(%arg10 : memref<128x128xf32, #tpu.memory_space<vmem>>) target(%dma_start3A_75 : memref<10112x128xf32, #tpu.memory_space<vmem_shared>>) offsets(%dma_start3A_72 : memref<128xi32, #tpu.memory_space<vmem>>) semaphore(%run_scoped3A : memref<!tpu.dma_semaphore, #tpu.memory_space<semaphore_mem>>) {add = true}
          %dma_wait3A_76 = arith.constant 0 : i32
          %dma_wait3A_77 = tpu.memref_slice %arg8[%add3A_69, %dma_wait3A_76] : memref<16x128xi32, #tpu.memory_space<vmem>> -> memref<1x128xi32, #tpu.memory_space<vmem>>
          %dma_wait3A_78 = tpu.memref_squeeze %dma_wait3A_77 : memref<1x128xi32, #tpu.memory_space<vmem>> -> memref<128xi32, #tpu.memory_space<vmem>>
          %dma_wait3A_79 = arith.constant 0 : i32
          %dma_wait3A_80 = arith.constant 0 : i32
          %dma_wait3A_81 = tpu.memref_slice %arg11[%dma_wait3A_79, %dma_wait3A_80] : memref<10112x128xf32, #tpu.memory_space<vmem_shared>> -> memref<10112x128xf32, #tpu.memory_space<vmem_shared>>
          tpu.wait_indirect_dma semaphore(%run_scoped3A : memref<!tpu.dma_semaphore, #tpu.memory_space<semaphore_mem>>) src(%arg10 : memref<128x128xf32, #tpu.memory_space<vmem>>) dst(%dma_wait3A_81 : memref<10112x128xf32, #tpu.memory_space<vmem_shared>>)
          tpu.yield
        }) : () -> ()
      }
      %scan3A_41 = arith.constant 8 : i32
    }
    %while3A_21 = arith.constant 1 : i32
    scf.for %while3A_27 = %while3A_19 to %while3A_15 step %while3A_21  : i32 {
      %mul3A_28 = arith.constant 16 : i32
      %mul3A_29 = arith.muli %while3A_27, %mul3A_28 : i32
      %add3A_30 = arith.addi %select_n3A, %mul3A_29 : i32
      "tpu.region"() ({
        %run_scoped3A = tpu.sem_alloc : memref<!tpu.dma_semaphore, #tpu.memory_space<semaphore_mem>>
        %dma_start3A_42 = arith.constant 0 : i32
        %dma_start3A_43 = tpu.memref_slice %arg3[%add3A_30, %dma_start3A_42] : memref<2560x128xi32, #tpu.memory_space<hbm>> -> memref<16x128xi32, #tpu.memory_space<hbm>>
        %dma_start3A_44 = arith.constant 0 : i32
        %dma_start3A_45 = tpu.memref_slice %arg3[%add3A_30, %dma_start3A_44] : memref<2560x128xi32, #tpu.memory_space<hbm>> -> memref<16x128xi32, #tpu.memory_space<hbm>>
        tpu.enqueue_dma source(%dma_start3A_45 : memref<16x128xi32, #tpu.memory_space<hbm>>) target(%arg7 : memref<16x128xi32, #tpu.memory_space<vmem>>) target_semaphore(%run_scoped3A : memref<!tpu.dma_semaphore, #tpu.memory_space<semaphore_mem>>)
        %dma_wait3A = arith.constant 0 : i32
        %dma_wait3A_46 = tpu.memref_slice %arg3[%add3A_30, %dma_wait3A] : memref<2560x128xi32, #tpu.memory_space<hbm>> -> memref<16x128xi32, #tpu.memory_space<hbm>>
        %dma_wait3A_47 = arith.constant 0 : i32
        %dma_wait3A_48 = tpu.memref_slice %arg3[%add3A_30, %dma_wait3A_47] : memref<2560x128xi32, #tpu.memory_space<hbm>> -> memref<16x128xi32, #tpu.memory_space<hbm>>
        tpu.wait_dma2 semaphore(%run_scoped3A : memref<!tpu.dma_semaphore, #tpu.memory_space<semaphore_mem>>) src(%dma_wait3A_48 : memref<16x128xi32, #tpu.memory_space<hbm>>) dst(%arg7 : memref<16x128xi32, #tpu.memory_space<vmem>>)
        tpu.yield
      }) : () -> ()
      "tpu.region"() ({
        %run_scoped3A = tpu.sem_alloc : memref<!tpu.dma_semaphore, #tpu.memory_space<semaphore_mem>>
        %dma_start3A_42 = arith.constant 0 : i32
        %dma_start3A_43 = tpu.memref_slice %arg4[%add3A_30, %dma_start3A_42] : memref<2560x128xi32, #tpu.memory_space<hbm>> -> memref<16x128xi32, #tpu.memory_space<hbm>>
        %dma_start3A_44 = arith.constant 0 : i32
        %dma_start3A_45 = tpu.memref_slice %arg4[%add3A_30, %dma_start3A_44] : memref<2560x128xi32, #tpu.memory_space<hbm>> -> memref<16x128xi32, #tpu.memory_space<hbm>>
        tpu.enqueue_dma source(%dma_start3A_45 : memref<16x128xi32, #tpu.memory_space<hbm>>) target(%arg8 : memref<16x128xi32, #tpu.memory_space<vmem>>) target_semaphore(%run_scoped3A : memref<!tpu.dma_semaphore, #tpu.memory_space<semaphore_mem>>)
        %dma_wait3A = arith.constant 0 : i32
        %dma_wait3A_46 = tpu.memref_slice %arg4[%add3A_30, %dma_wait3A] : memref<2560x128xi32, #tpu.memory_space<hbm>> -> memref<16x128xi32, #tpu.memory_space<hbm>>
        %dma_wait3A_47 = arith.constant 0 : i32
        %dma_wait3A_48 = tpu.memref_slice %arg4[%add3A_30, %dma_wait3A_47] : memref<2560x128xi32, #tpu.memory_space<hbm>> -> memref<16x128xi32, #tpu.memory_space<hbm>>
        tpu.wait_dma2 semaphore(%run_scoped3A : memref<!tpu.dma_semaphore, #tpu.memory_space<semaphore_mem>>) src(%dma_wait3A_48 : memref<16x128xi32, #tpu.memory_space<hbm>>) dst(%arg8 : memref<16x128xi32, #tpu.memory_space<vmem>>)
        tpu.yield
      }) : () -> ()
      %dma_start3A = arith.constant 0 : i32
      %dma_start3A_31 = arith.constant 0 : i32
      %dma_start3A_32 = tpu.memref_slice %arg7[%dma_start3A, %dma_start3A_31] : memref<16x128xi32, #tpu.memory_space<vmem>> -> memref<1x128xi32, #tpu.memory_space<vmem>>
      %dma_start3A_33 = tpu.memref_squeeze %dma_start3A_32 : memref<1x128xi32, #tpu.memory_space<vmem>> -> memref<128xi32, #tpu.memory_space<vmem>>
      %dma_start3A_34 = arith.constant 0 : i32
      %dma_start3A_35 = arith.constant 0 : i32
      %dma_start3A_36 = tpu.memref_slice %arg2[%dma_start3A_34, %dma_start3A_35] : memref<20000x128xf32, #tpu.memory_space<hbm>> -> memref<20000x128xf32, #tpu.memory_space<hbm>>
      tpu.enqueue_indirect_dma source(%dma_start3A_36 : memref<20000x128xf32, #tpu.memory_space<hbm>>) target(%arg9 : memref<128x128xf32, #tpu.memory_space<vmem>>) offsets(%dma_start3A_33 : memref<128xi32, #tpu.memory_space<vmem>>) semaphore(%arg12 : memref<!tpu.dma_semaphore, #tpu.memory_space<semaphore_mem>>)
      %scan3A = arith.constant 0 : i32
      %scan3A_37 = arith.constant 0 : i32
      %scan3A_38 = arith.constant 8 : i32
      %scan3A_39 = arith.addi %scan3A_37, %scan3A_38 : i32
      %scan3A_40 = arith.constant 1 : i32
      scf.for %scan3A_42 = %scan3A_37 to %scan3A_39 step %scan3A_40  : i32 {
        %mul3A_43 = arith.constant 2 : i32
        %mul3A_44 = arith.muli %mul3A_43, %scan3A_42 : i32
        %add3A_45 = arith.constant 1 : i32
        %add3A_46 = arith.addi %mul3A_44, %add3A_45 : i32
        %dma_start3A_47 = arith.constant 0 : i32
        %dma_start3A_48 = tpu.memref_slice %arg7[%add3A_46, %dma_start3A_47] : memref<16x128xi32, #tpu.memory_space<vmem>> -> memref<1x128xi32, #tpu.memory_space<vmem>>
        %dma_start3A_49 = tpu.memref_squeeze %dma_start3A_48 : memref<1x128xi32, #tpu.memory_space<vmem>> -> memref<128xi32, #tpu.memory_space<vmem>>
        %dma_start3A_50 = arith.constant 0 : i32
        %dma_start3A_51 = arith.constant 0 : i32
        %dma_start3A_52 = tpu.memref_slice %arg2[%dma_start3A_50, %dma_start3A_51] : memref<20000x128xf32, #tpu.memory_space<hbm>> -> memref<20000x128xf32, #tpu.memory_space<hbm>>
        tpu.enqueue_indirect_dma source(%dma_start3A_52 : memref<20000x128xf32, #tpu.memory_space<hbm>>) target(%arg10 : memref<128x128xf32, #tpu.memory_space<vmem>>) offsets(%dma_start3A_49 : memref<128xi32, #tpu.memory_space<vmem>>) semaphore(%arg13 : memref<!tpu.dma_semaphore, #tpu.memory_space<semaphore_mem>>)
        %dma_wait3A = arith.constant 0 : i32
        %dma_wait3A_53 = arith.constant 0 : i32
        %dma_wait3A_54 = tpu.memref_slice %arg2[%dma_wait3A, %dma_wait3A_53] : memref<20000x128xf32, #tpu.memory_space<hbm>> -> memref<128x128xf32, #tpu.memory_space<hbm>>
        %dma_wait3A_55 = arith.constant 0 : i32
        %dma_wait3A_56 = arith.constant 0 : i32
        %dma_wait3A_57 = tpu.memref_slice %arg2[%dma_wait3A_55, %dma_wait3A_56] : memref<20000x128xf32, #tpu.memory_space<hbm>> -> memref<128x128xf32, #tpu.memory_space<hbm>>
        tpu.wait_dma2 semaphore(%arg12 : memref<!tpu.dma_semaphore, #tpu.memory_space<semaphore_mem>>) src(%dma_wait3A_57 : memref<128x128xf32, #tpu.memory_space<hbm>>) dst(%arg9 : memref<128x128xf32, #tpu.memory_space<vmem>>)
        "tpu.region"() ({
          %run_scoped3A = tpu.sem_alloc : memref<!tpu.dma_semaphore, #tpu.memory_space<semaphore_mem>>
          %dma_start3A_70 = arith.constant 0 : i32
          %dma_start3A_71 = tpu.memref_slice %arg8[%mul3A_44, %dma_start3A_70] : memref<16x128xi32, #tpu.memory_space<vmem>> -> memref<1x128xi32, #tpu.memory_space<vmem>>
          %dma_start3A_72 = tpu.memref_squeeze %dma_start3A_71 : memref<1x128xi32, #tpu.memory_space<vmem>> -> memref<128xi32, #tpu.memory_space<vmem>>
          %dma_start3A_73 = arith.constant 0 : i32
          %dma_start3A_74 = arith.constant 0 : i32
          %dma_start3A_75 = tpu.memref_slice %arg11[%dma_start3A_73, %dma_start3A_74] : memref<10112x128xf32, #tpu.memory_space<vmem_shared>> -> memref<10112x128xf32, #tpu.memory_space<vmem_shared>>
          tpu.enqueue_indirect_dma source(%arg9 : memref<128x128xf32, #tpu.memory_space<vmem>>) target(%dma_start3A_75 : memref<10112x128xf32, #tpu.memory_space<vmem_shared>>) offsets(%dma_start3A_72 : memref<128xi32, #tpu.memory_space<vmem>>) semaphore(%run_scoped3A : memref<!tpu.dma_semaphore, #tpu.memory_space<semaphore_mem>>) {add = true}
          %dma_wait3A_76 = arith.constant 0 : i32
          %dma_wait3A_77 = tpu.memref_slice %arg8[%mul3A_44, %dma_wait3A_76] : memref<16x128xi32, #tpu.memory_space<vmem>> -> memref<1x128xi32, #tpu.memory_space<vmem>>
          %dma_wait3A_78 = tpu.memref_squeeze %dma_wait3A_77 : memref<1x128xi32, #tpu.memory_space<vmem>> -> memref<128xi32, #tpu.memory_space<vmem>>
          %dma_wait3A_79 = arith.constant 0 : i32
          %dma_wait3A_80 = arith.constant 0 : i32
          %dma_wait3A_81 = tpu.memref_slice %arg11[%dma_wait3A_79, %dma_wait3A_80] : memref<10112x128xf32, #tpu.memory_space<vmem_shared>> -> memref<10112x128xf32, #tpu.memory_space<vmem_shared>>
          tpu.wait_indirect_dma semaphore(%run_scoped3A : memref<!tpu.dma_semaphore, #tpu.memory_space<semaphore_mem>>) src(%arg9 : memref<128x128xf32, #tpu.memory_space<vmem>>) dst(%dma_wait3A_81 : memref<10112x128xf32, #tpu.memory_space<vmem_shared>>)
          tpu.yield
        }) : () -> ()
        %add3A_58 = arith.constant 2 : i32
        %add3A_59 = arith.addi %mul3A_44, %add3A_58 : i32
        %lt3A = arith.constant 16 : i32
        %lt3A_60 = arith.cmpi slt, %add3A_59, %lt3A : i32
        %convert_element_type3A = arith.extui %lt3A_60 : i1 to i32
        %cond3A = arith.constant 0 : i32
        %cond3A_61 = arith.cmpi ne, %convert_element_type3A, %cond3A : i32
        scf.if %cond3A_61 {
          %add3A_70 = arith.constant 2 : i32
          %add3A_71 = arith.addi %mul3A_44, %add3A_70 : i32
          %dma_start3A_72 = arith.constant 0 : i32
          %dma_start3A_73 = tpu.memref_slice %arg7[%add3A_71, %dma_start3A_72] : memref<16x128xi32, #tpu.memory_space<vmem>> -> memref<1x128xi32, #tpu.memory_space<vmem>>
          %dma_start3A_74 = tpu.memref_squeeze %dma_start3A_73 : memref<1x128xi32, #tpu.memory_space<vmem>> -> memref<128xi32, #tpu.memory_space<vmem>>
          %dma_start3A_75 = arith.constant 0 : i32
          %dma_start3A_76 = arith.constant 0 : i32
          %dma_start3A_77 = tpu.memref_slice %arg2[%dma_start3A_75, %dma_start3A_76] : memref<20000x128xf32, #tpu.memory_space<hbm>> -> memref<20000x128xf32, #tpu.memory_space<hbm>>
          tpu.enqueue_indirect_dma source(%dma_start3A_77 : memref<20000x128xf32, #tpu.memory_space<hbm>>) target(%arg9 : memref<128x128xf32, #tpu.memory_space<vmem>>) offsets(%dma_start3A_74 : memref<128xi32, #tpu.memory_space<vmem>>) semaphore(%arg12 : memref<!tpu.dma_semaphore, #tpu.memory_space<semaphore_mem>>)
        } else {
        }
        %dma_wait3A_62 = arith.constant 0 : i32
        %dma_wait3A_63 = arith.constant 0 : i32
        %dma_wait3A_64 = tpu.memref_slice %arg2[%dma_wait3A_62, %dma_wait3A_63] : memref<20000x128xf32, #tpu.memory_space<hbm>> -> memref<128x128xf32, #tpu.memory_space<hbm>>
        %dma_wait3A_65 = arith.constant 0 : i32
        %dma_wait3A_66 = arith.constant 0 : i32
        %dma_wait3A_67 = tpu.memref_slice %arg2[%dma_wait3A_65, %dma_wait3A_66] : memref<20000x128xf32, #tpu.memory_space<hbm>> -> memref<128x128xf32, #tpu.memory_space<hbm>>
        tpu.wait_dma2 semaphore(%arg13 : memref<!tpu.dma_semaphore, #tpu.memory_space<semaphore_mem>>) src(%dma_wait3A_67 : memref<128x128xf32, #tpu.memory_space<hbm>>) dst(%arg10 : memref<128x128xf32, #tpu.memory_space<vmem>>)
        %add3A_68 = arith.constant 1 : i32
        %add3A_69 = arith.addi %mul3A_44, %add3A_68 : i32
        "tpu.region"() ({
          %run_scoped3A = tpu.sem_alloc : memref<!tpu.dma_semaphore, #tpu.memory_space<semaphore_mem>>
          %dma_start3A_70 = arith.constant 0 : i32
          %dma_start3A_71 = tpu.memref_slice %arg8[%add3A_69, %dma_start3A_70] : memref<16x128xi32, #tpu.memory_space<vmem>> -> memref<1x128xi32, #tpu.memory_space<vmem>>
          %dma_start3A_72 = tpu.memref_squeeze %dma_start3A_71 : memref<1x128xi32, #tpu.memory_space<vmem>> -> memref<128xi32, #tpu.memory_space<vmem>>
          %dma_start3A_73 = arith.constant 0 : i32
          %dma_start3A_74 = arith.constant 0 : i32
          %dma_start3A_75 = tpu.memref_slice %arg11[%dma_start3A_73, %dma_start3A_74] : memref<10112x128xf32, #tpu.memory_space<vmem_shared>> -> memref<10112x128xf32, #tpu.memory_space<vmem_shared>>
          tpu.enqueue_indirect_dma source(%arg10 : memref<128x128xf32, #tpu.memory_space<vmem>>) target(%dma_start3A_75 : memref<10112x128xf32, #tpu.memory_space<vmem_shared>>) offsets(%dma_start3A_72 : memref<128xi32, #tpu.memory_space<vmem>>) semaphore(%run_scoped3A : memref<!tpu.dma_semaphore, #tpu.memory_space<semaphore_mem>>) {add = true}
          %dma_wait3A_76 = arith.constant 0 : i32
          %dma_wait3A_77 = tpu.memref_slice %arg8[%add3A_69, %dma_wait3A_76] : memref<16x128xi32, #tpu.memory_space<vmem>> -> memref<1x128xi32, #tpu.memory_space<vmem>>
          %dma_wait3A_78 = tpu.memref_squeeze %dma_wait3A_77 : memref<1x128xi32, #tpu.memory_space<vmem>> -> memref<128xi32, #tpu.memory_space<vmem>>
          %dma_wait3A_79 = arith.constant 0 : i32
          %dma_wait3A_80 = arith.constant 0 : i32
          %dma_wait3A_81 = tpu.memref_slice %arg11[%dma_wait3A_79, %dma_wait3A_80] : memref<10112x128xf32, #tpu.memory_space<vmem_shared>> -> memref<10112x128xf32, #tpu.memory_space<vmem_shared>>
          tpu.wait_indirect_dma semaphore(%run_scoped3A : memref<!tpu.dma_semaphore, #tpu.memory_space<semaphore_mem>>) src(%arg10 : memref<128x128xf32, #tpu.memory_space<vmem>>) dst(%dma_wait3A_81 : memref<10112x128xf32, #tpu.memory_space<vmem_shared>>)
          tpu.yield
        }) : () -> ()
      }
      %scan3A_41 = arith.constant 8 : i32
    }
    %barrier3A_22 = arith.constant 0 : index
    tpu.barrier barrier_id(%barrier3A_22)
    %mul3A_23 = arith.constant 632 : i32
    %mul3A_24 = arith.muli %arg1, %mul3A_23 : i32
    %mul3A_25 = arith.constant 632 : i32
    %mul3A_26 = arith.muli %arg1, %mul3A_25 : i32
    "tpu.region"() ({
      %run_scoped3A = tpu.sem_alloc : memref<!tpu.dma_semaphore, #tpu.memory_space<semaphore_mem>>
      %dma_start3A = arith.constant 0 : i32
      %dma_start3A_27 = tpu.memref_slice %arg6[%arg0, %mul3A_26, %dma_start3A] : memref<2x10112x128xf32, #tpu.memory_space<hbm>> -> memref<1x632x128xf32, #tpu.memory_space<hbm>>
      %dma_start3A_28 = tpu.memref_squeeze %dma_start3A_27 : memref<1x632x128xf32, #tpu.memory_space<hbm>> -> memref<632x128xf32, #tpu.memory_space<hbm>>
      %dma_start3A_29 = arith.constant 0 : i32
      %dma_start3A_30 = tpu.memref_slice %arg11[%mul3A_24, %dma_start3A_29] : memref<10112x128xf32, #tpu.memory_space<vmem_shared>> -> memref<632x128xf32, #tpu.memory_space<vmem_shared>>
      tpu.enqueue_dma source(%dma_start3A_30 : memref<632x128xf32, #tpu.memory_space<vmem_shared>>) target(%dma_start3A_28 : memref<632x128xf32, #tpu.memory_space<hbm>>) target_semaphore(%run_scoped3A : memref<!tpu.dma_semaphore, #tpu.memory_space<semaphore_mem>>)
      %dma_wait3A = arith.constant 0 : i32
      %dma_wait3A_31 = tpu.memref_slice %arg6[%arg0, %mul3A_26, %dma_wait3A] : memref<2x10112x128xf32, #tpu.memory_space<hbm>> -> memref<1x632x128xf32, #tpu.memory_space<hbm>>
      %dma_wait3A_32 = tpu.memref_squeeze %dma_wait3A_31 : memref<1x632x128xf32, #tpu.memory_space<hbm>> -> memref<632x128xf32, #tpu.memory_space<hbm>>
      %dma_wait3A_33 = arith.constant 0 : i32
      %dma_wait3A_34 = tpu.memref_slice %arg11[%mul3A_24, %dma_wait3A_33] : memref<10112x128xf32, #tpu.memory_space<vmem_shared>> -> memref<632x128xf32, #tpu.memory_space<vmem_shared>>
      tpu.wait_dma2 semaphore(%run_scoped3A : memref<!tpu.dma_semaphore, #tpu.memory_space<semaphore_mem>>) src(%dma_wait3A_34 : memref<632x128xf32, #tpu.memory_space<vmem_shared>>) dst(%dma_wait3A_32 : memref<632x128xf32, #tpu.memory_space<hbm>>)
      tpu.yield
    }) : () -> ()
    return
  }
}

#map = affine_map<(d0, d1) -> (0, 0)>
module attributes {stable_mosaic.version = 14 : i64} {
  func.func @_sc_gather_body(%arg0: i32, %arg1: i32, %arg2: memref<10112x128xf32, #tpu.memory_space<hbm>>, %arg3: memref<2560x128xi32, #tpu.memory_space<hbm>>, %arg4: memref<2560x128xi32, #tpu.memory_space<hbm>>, %arg5: memref<327680x128xf32, #tpu.memory_space<hbm>>, %arg6: memref<327680x128xf32, #tpu.memory_space<hbm>>, %arg7: memref<16x128xi32, #tpu.memory_space<vmem>>, %arg8: memref<128x128xf32, #tpu.memory_space<vmem>>, %arg9: memref<128x128xf32, #tpu.memory_space<vmem>>, %arg10: memref<10112x128xf32, #tpu.memory_space<vmem_shared>>, %arg11: memref<!tpu.dma_semaphore, #tpu.memory_space<semaphore_mem>>, %arg12: memref<!tpu.dma_semaphore, #tpu.memory_space<semaphore_mem>>) attributes {dimension_semantics = [#tpu.dimension_semantics<core_parallel>, #tpu.dimension_semantics<subcore_parallel>], iteration_bounds = array<i64: 2, 16>, scalar_prefetch = 0 : i64, scratch_operands = 6 : i64, tpu.core_type = #tpu.core_type<sc_vector_subcore>, window_params = [{transform_indices = #map}, {transform_indices = #map}, {transform_indices = #map}, {transform_indices = #map}, {transform_indices = #map}]} {
    %mul3A = arith.constant 632 : i32
    %mul3A_0 = arith.muli %arg1, %mul3A : i32
    %mul3A_1 = arith.constant 632 : i32
    %mul3A_2 = arith.muli %arg1, %mul3A_1 : i32
    "tpu.region"() ({
      %run_scoped3A = tpu.sem_alloc : memref<!tpu.dma_semaphore, #tpu.memory_space<semaphore_mem>>
      %dma_start3A = arith.constant 0 : i32
      %dma_start3A_8 = tpu.memref_slice %arg10[%mul3A_2, %dma_start3A] : memref<10112x128xf32, #tpu.memory_space<vmem_shared>> -> memref<632x128xf32, #tpu.memory_space<vmem_shared>>
      %dma_start3A_9 = arith.constant 0 : i32
      %dma_start3A_10 = tpu.memref_slice %arg2[%mul3A_0, %dma_start3A_9] : memref<10112x128xf32, #tpu.memory_space<hbm>> -> memref<632x128xf32, #tpu.memory_space<hbm>>
      tpu.enqueue_dma source(%dma_start3A_10 : memref<632x128xf32, #tpu.memory_space<hbm>>) target(%dma_start3A_8 : memref<632x128xf32, #tpu.memory_space<vmem_shared>>) target_semaphore(%run_scoped3A : memref<!tpu.dma_semaphore, #tpu.memory_space<semaphore_mem>>)
      %dma_wait3A = arith.constant 0 : i32
      %dma_wait3A_11 = tpu.memref_slice %arg10[%mul3A_2, %dma_wait3A] : memref<10112x128xf32, #tpu.memory_space<vmem_shared>> -> memref<632x128xf32, #tpu.memory_space<vmem_shared>>
      %dma_wait3A_12 = arith.constant 0 : i32
      %dma_wait3A_13 = tpu.memref_slice %arg2[%mul3A_0, %dma_wait3A_12] : memref<10112x128xf32, #tpu.memory_space<hbm>> -> memref<632x128xf32, #tpu.memory_space<hbm>>
      tpu.wait_dma2 semaphore(%run_scoped3A : memref<!tpu.dma_semaphore, #tpu.memory_space<semaphore_mem>>) src(%dma_wait3A_13 : memref<632x128xf32, #tpu.memory_space<hbm>>) dst(%dma_wait3A_11 : memref<632x128xf32, #tpu.memory_space<vmem_shared>>)
      tpu.yield
    }) : () -> ()
    %barrier3A = arith.constant 0 : index
    tpu.barrier barrier_id(%barrier3A)
    %scan3A = arith.constant 0 : i32
    %scan3A_3 = arith.constant 0 : i32
    %scan3A_4 = arith.constant 10 : i32
    %scan3A_5 = arith.addi %scan3A_3, %scan3A_4 : i32
    %scan3A_6 = arith.constant 1 : i32
    scf.for %scan3A_8 = %scan3A_3 to %scan3A_5 step %scan3A_6  : i32 {
      %mul3A_9 = arith.constant 160 : i32
      %mul3A_10 = arith.muli %arg1, %mul3A_9 : i32
      %mul3A_11 = arith.constant 16 : i32
      %mul3A_12 = arith.muli %scan3A_8, %mul3A_11 : i32
      %add3A = arith.addi %mul3A_10, %mul3A_12 : i32
      %eq3A = arith.constant 0 : i32
      %eq3A_13 = arith.cmpi eq, %arg0, %eq3A : i32
      %convert_element_type3A = arith.extui %eq3A_13 : i1 to i32
      %cond3A = arith.constant 0 : i32
      %cond3A_14 = arith.cmpi ne, %convert_element_type3A, %cond3A : i32
      scf.if %cond3A_14 {
        "tpu.region"() ({
          %run_scoped3A = tpu.sem_alloc : memref<!tpu.dma_semaphore, #tpu.memory_space<semaphore_mem>>
          %dma_start3A_32 = arith.constant 0 : i32
          %dma_start3A_33 = tpu.memref_slice %arg3[%add3A, %dma_start3A_32] : memref<2560x128xi32, #tpu.memory_space<hbm>> -> memref<16x128xi32, #tpu.memory_space<hbm>>
          %dma_start3A_34 = arith.constant 0 : i32
          %dma_start3A_35 = tpu.memref_slice %arg3[%add3A, %dma_start3A_34] : memref<2560x128xi32, #tpu.memory_space<hbm>> -> memref<16x128xi32, #tpu.memory_space<hbm>>
          tpu.enqueue_dma source(%dma_start3A_35 : memref<16x128xi32, #tpu.memory_space<hbm>>) target(%arg7 : memref<16x128xi32, #tpu.memory_space<vmem>>) target_semaphore(%run_scoped3A : memref<!tpu.dma_semaphore, #tpu.memory_space<semaphore_mem>>)
          %dma_wait3A = arith.constant 0 : i32
          %dma_wait3A_36 = tpu.memref_slice %arg3[%add3A, %dma_wait3A] : memref<2560x128xi32, #tpu.memory_space<hbm>> -> memref<16x128xi32, #tpu.memory_space<hbm>>
          %dma_wait3A_37 = arith.constant 0 : i32
          %dma_wait3A_38 = tpu.memref_slice %arg3[%add3A, %dma_wait3A_37] : memref<2560x128xi32, #tpu.memory_space<hbm>> -> memref<16x128xi32, #tpu.memory_space<hbm>>
          tpu.wait_dma2 semaphore(%run_scoped3A : memref<!tpu.dma_semaphore, #tpu.memory_space<semaphore_mem>>) src(%dma_wait3A_38 : memref<16x128xi32, #tpu.memory_space<hbm>>) dst(%arg7 : memref<16x128xi32, #tpu.memory_space<vmem>>)
          tpu.yield
        }) : () -> ()
      } else {
      }
      %eq3A_15 = arith.constant 1 : i32
      %eq3A_16 = arith.cmpi eq, %arg0, %eq3A_15 : i32
      %convert_element_type3A_17 = arith.extui %eq3A_16 : i1 to i32
      %cond3A_18 = arith.constant 0 : i32
      %cond3A_19 = arith.cmpi ne, %convert_element_type3A_17, %cond3A_18 : i32
      scf.if %cond3A_19 {
        "tpu.region"() ({
          %run_scoped3A = tpu.sem_alloc : memref<!tpu.dma_semaphore, #tpu.memory_space<semaphore_mem>>
          %dma_start3A_32 = arith.constant 0 : i32
          %dma_start3A_33 = tpu.memref_slice %arg4[%add3A, %dma_start3A_32] : memref<2560x128xi32, #tpu.memory_space<hbm>> -> memref<16x128xi32, #tpu.memory_space<hbm>>
          %dma_start3A_34 = arith.constant 0 : i32
          %dma_start3A_35 = tpu.memref_slice %arg4[%add3A, %dma_start3A_34] : memref<2560x128xi32, #tpu.memory_space<hbm>> -> memref<16x128xi32, #tpu.memory_space<hbm>>
          tpu.enqueue_dma source(%dma_start3A_35 : memref<16x128xi32, #tpu.memory_space<hbm>>) target(%arg7 : memref<16x128xi32, #tpu.memory_space<vmem>>) target_semaphore(%run_scoped3A : memref<!tpu.dma_semaphore, #tpu.memory_space<semaphore_mem>>)
          %dma_wait3A = arith.constant 0 : i32
          %dma_wait3A_36 = tpu.memref_slice %arg4[%add3A, %dma_wait3A] : memref<2560x128xi32, #tpu.memory_space<hbm>> -> memref<16x128xi32, #tpu.memory_space<hbm>>
          %dma_wait3A_37 = arith.constant 0 : i32
          %dma_wait3A_38 = tpu.memref_slice %arg4[%add3A, %dma_wait3A_37] : memref<2560x128xi32, #tpu.memory_space<hbm>> -> memref<16x128xi32, #tpu.memory_space<hbm>>
          tpu.wait_dma2 semaphore(%run_scoped3A : memref<!tpu.dma_semaphore, #tpu.memory_space<semaphore_mem>>) src(%dma_wait3A_38 : memref<16x128xi32, #tpu.memory_space<hbm>>) dst(%arg7 : memref<16x128xi32, #tpu.memory_space<vmem>>)
          tpu.yield
        }) : () -> ()
      } else {
      }
      %dma_start3A = arith.constant 0 : i32
      %dma_start3A_20 = arith.constant 0 : i32
      %dma_start3A_21 = tpu.memref_slice %arg7[%dma_start3A, %dma_start3A_20] : memref<16x128xi32, #tpu.memory_space<vmem>> -> memref<1x128xi32, #tpu.memory_space<vmem>>
      %dma_start3A_22 = tpu.memref_squeeze %dma_start3A_21 : memref<1x128xi32, #tpu.memory_space<vmem>> -> memref<128xi32, #tpu.memory_space<vmem>>
      %dma_start3A_23 = arith.constant 0 : i32
      %dma_start3A_24 = arith.constant 0 : i32
      %dma_start3A_25 = tpu.memref_slice %arg10[%dma_start3A_23, %dma_start3A_24] : memref<10112x128xf32, #tpu.memory_space<vmem_shared>> -> memref<10112x128xf32, #tpu.memory_space<vmem_shared>>
      tpu.enqueue_indirect_dma source(%dma_start3A_25 : memref<10112x128xf32, #tpu.memory_space<vmem_shared>>) target(%arg8 : memref<128x128xf32, #tpu.memory_space<vmem>>) offsets(%dma_start3A_22 : memref<128xi32, #tpu.memory_space<vmem>>) semaphore(%arg11 : memref<!tpu.dma_semaphore, #tpu.memory_space<semaphore_mem>>)
      %scan3A_26 = arith.constant 0 : i32
      %scan3A_27 = arith.constant 0 : i32
      %scan3A_28 = arith.constant 8 : i32
      %scan3A_29 = arith.addi %scan3A_27, %scan3A_28 : i32
      %scan3A_30 = arith.constant 1 : i32
      scf.for %scan3A_32 = %scan3A_27 to %scan3A_29 step %scan3A_30  : i32 {
        %mul3A_33 = arith.constant 2 : i32
        %mul3A_34 = arith.muli %mul3A_33, %scan3A_32 : i32
        %add3A_35 = arith.constant 1 : i32
        %add3A_36 = arith.addi %mul3A_34, %add3A_35 : i32
        %dma_start3A_37 = arith.constant 0 : i32
        %dma_start3A_38 = tpu.memref_slice %arg7[%add3A_36, %dma_start3A_37] : memref<16x128xi32, #tpu.memory_space<vmem>> -> memref<1x128xi32, #tpu.memory_space<vmem>>
        %dma_start3A_39 = tpu.memref_squeeze %dma_start3A_38 : memref<1x128xi32, #tpu.memory_space<vmem>> -> memref<128xi32, #tpu.memory_space<vmem>>
        %dma_start3A_40 = arith.constant 0 : i32
        %dma_start3A_41 = arith.constant 0 : i32
        %dma_start3A_42 = tpu.memref_slice %arg10[%dma_start3A_40, %dma_start3A_41] : memref<10112x128xf32, #tpu.memory_space<vmem_shared>> -> memref<10112x128xf32, #tpu.memory_space<vmem_shared>>
        tpu.enqueue_indirect_dma source(%dma_start3A_42 : memref<10112x128xf32, #tpu.memory_space<vmem_shared>>) target(%arg9 : memref<128x128xf32, #tpu.memory_space<vmem>>) offsets(%dma_start3A_39 : memref<128xi32, #tpu.memory_space<vmem>>) semaphore(%arg12 : memref<!tpu.dma_semaphore, #tpu.memory_space<semaphore_mem>>)
        %dma_wait3A = arith.constant 0 : i32
        %dma_wait3A_43 = arith.constant 0 : i32
        %dma_wait3A_44 = tpu.memref_slice %arg2[%dma_wait3A, %dma_wait3A_43] : memref<10112x128xf32, #tpu.memory_space<hbm>> -> memref<128x128xf32, #tpu.memory_space<hbm>>
        %dma_wait3A_45 = arith.constant 0 : i32
        %dma_wait3A_46 = arith.constant 0 : i32
        %dma_wait3A_47 = tpu.memref_slice %arg2[%dma_wait3A_45, %dma_wait3A_46] : memref<10112x128xf32, #tpu.memory_space<hbm>> -> memref<128x128xf32, #tpu.memory_space<hbm>>
        tpu.wait_dma2 semaphore(%arg11 : memref<!tpu.dma_semaphore, #tpu.memory_space<semaphore_mem>>) src(%dma_wait3A_47 : memref<128x128xf32, #tpu.memory_space<hbm>>) dst(%arg8 : memref<128x128xf32, #tpu.memory_space<vmem>>)
        %add3A_48 = arith.addi %add3A, %mul3A_34 : i32
        %mul3A_49 = arith.constant 128 : i32
        %mul3A_50 = arith.muli %add3A_48, %mul3A_49 : i32
        %eq3A_51 = arith.constant 0 : i32
        %eq3A_52 = arith.cmpi eq, %arg0, %eq3A_51 : i32
        %convert_element_type3A_53 = arith.extui %eq3A_52 : i1 to i32
        %cond3A_54 = arith.constant 0 : i32
        %cond3A_55 = arith.cmpi ne, %convert_element_type3A_53, %cond3A_54 : i32
        scf.if %cond3A_55 {
          "tpu.region"() ({
            %run_scoped3A = tpu.sem_alloc : memref<!tpu.dma_semaphore, #tpu.memory_space<semaphore_mem>>
            %dma_start3A_88 = arith.constant 0 : i32
            %dma_start3A_89 = tpu.memref_slice %arg5[%mul3A_50, %dma_start3A_88] : memref<327680x128xf32, #tpu.memory_space<hbm>> -> memref<128x128xf32, #tpu.memory_space<hbm>>
            %dma_start3A_90 = arith.constant 0 : i32
            %dma_start3A_91 = tpu.memref_slice %arg5[%mul3A_50, %dma_start3A_90] : memref<327680x128xf32, #tpu.memory_space<hbm>> -> memref<128x128xf32, #tpu.memory_space<hbm>>
            tpu.enqueue_dma source(%arg8 : memref<128x128xf32, #tpu.memory_space<vmem>>) target(%dma_start3A_91 : memref<128x128xf32, #tpu.memory_space<hbm>>) target_semaphore(%run_scoped3A : memref<!tpu.dma_semaphore, #tpu.memory_space<semaphore_mem>>)
            %dma_wait3A_92 = arith.constant 0 : i32
            %dma_wait3A_93 = tpu.memref_slice %arg5[%mul3A_50, %dma_wait3A_92] : memref<327680x128xf32, #tpu.memory_space<hbm>> -> memref<128x128xf32, #tpu.memory_space<hbm>>
            %dma_wait3A_94 = arith.constant 0 : i32
            %dma_wait3A_95 = tpu.memref_slice %arg5[%mul3A_50, %dma_wait3A_94] : memref<327680x128xf32, #tpu.memory_space<hbm>> -> memref<128x128xf32, #tpu.memory_space<hbm>>
            tpu.wait_dma2 semaphore(%run_scoped3A : memref<!tpu.dma_semaphore, #tpu.memory_space<semaphore_mem>>) src(%arg8 : memref<128x128xf32, #tpu.memory_space<vmem>>) dst(%dma_wait3A_95 : memref<128x128xf32, #tpu.memory_space<hbm>>)
            tpu.yield
          }) : () -> ()
        } else {
        }
        %eq3A_56 = arith.constant 1 : i32
        %eq3A_57 = arith.cmpi eq, %arg0, %eq3A_56 : i32
        %convert_element_type3A_58 = arith.extui %eq3A_57 : i1 to i32
        %cond3A_59 = arith.constant 0 : i32
        %cond3A_60 = arith.cmpi ne, %convert_element_type3A_58, %cond3A_59 : i32
        scf.if %cond3A_60 {
          "tpu.region"() ({
            %run_scoped3A = tpu.sem_alloc : memref<!tpu.dma_semaphore, #tpu.memory_space<semaphore_mem>>
            %dma_start3A_88 = arith.constant 0 : i32
            %dma_start3A_89 = tpu.memref_slice %arg6[%mul3A_50, %dma_start3A_88] : memref<327680x128xf32, #tpu.memory_space<hbm>> -> memref<128x128xf32, #tpu.memory_space<hbm>>
            %dma_start3A_90 = arith.constant 0 : i32
            %dma_start3A_91 = tpu.memref_slice %arg6[%mul3A_50, %dma_start3A_90] : memref<327680x128xf32, #tpu.memory_space<hbm>> -> memref<128x128xf32, #tpu.memory_space<hbm>>
            tpu.enqueue_dma source(%arg8 : memref<128x128xf32, #tpu.memory_space<vmem>>) target(%dma_start3A_91 : memref<128x128xf32, #tpu.memory_space<hbm>>) target_semaphore(%run_scoped3A : memref<!tpu.dma_semaphore, #tpu.memory_space<semaphore_mem>>)
            %dma_wait3A_92 = arith.constant 0 : i32
            %dma_wait3A_93 = tpu.memref_slice %arg6[%mul3A_50, %dma_wait3A_92] : memref<327680x128xf32, #tpu.memory_space<hbm>> -> memref<128x128xf32, #tpu.memory_space<hbm>>
            %dma_wait3A_94 = arith.constant 0 : i32
            %dma_wait3A_95 = tpu.memref_slice %arg6[%mul3A_50, %dma_wait3A_94] : memref<327680x128xf32, #tpu.memory_space<hbm>> -> memref<128x128xf32, #tpu.memory_space<hbm>>
            tpu.wait_dma2 semaphore(%run_scoped3A : memref<!tpu.dma_semaphore, #tpu.memory_space<semaphore_mem>>) src(%arg8 : memref<128x128xf32, #tpu.memory_space<vmem>>) dst(%dma_wait3A_95 : memref<128x128xf32, #tpu.memory_space<hbm>>)
            tpu.yield
          }) : () -> ()
        } else {
        }
        %add3A_61 = arith.constant 2 : i32
        %add3A_62 = arith.addi %mul3A_34, %add3A_61 : i32
        %lt3A = arith.constant 16 : i32
        %lt3A_63 = arith.cmpi slt, %add3A_62, %lt3A : i32
        %convert_element_type3A_64 = arith.extui %lt3A_63 : i1 to i32
        %cond3A_65 = arith.constant 0 : i32
        %cond3A_66 = arith.cmpi ne, %convert_element_type3A_64, %cond3A_65 : i32
        scf.if %cond3A_66 {
          %add3A_88 = arith.constant 2 : i32
          %add3A_89 = arith.addi %mul3A_34, %add3A_88 : i32
          %dma_start3A_90 = arith.constant 0 : i32
          %dma_start3A_91 = tpu.memref_slice %arg7[%add3A_89, %dma_start3A_90] : memref<16x128xi32, #tpu.memory_space<vmem>> -> memref<1x128xi32, #tpu.memory_space<vmem>>
          %dma_start3A_92 = tpu.memref_squeeze %dma_start3A_91 : memref<1x128xi32, #tpu.memory_space<vmem>> -> memref<128xi32, #tpu.memory_space<vmem>>
          %dma_start3A_93 = arith.constant 0 : i32
          %dma_start3A_94 = arith.constant 0 : i32
          %dma_start3A_95 = tpu.memref_slice %arg10[%dma_start3A_93, %dma_start3A_94] : memref<10112x128xf32, #tpu.memory_space<vmem_shared>> -> memref<10112x128xf32, #tpu.memory_space<vmem_shared>>
          tpu.enqueue_indirect_dma source(%dma_start3A_95 : memref<10112x128xf32, #tpu.memory_space<vmem_shared>>) target(%arg8 : memref<128x128xf32, #tpu.memory_space<vmem>>) offsets(%dma_start3A_92 : memref<128xi32, #tpu.memory_space<vmem>>) semaphore(%arg11 : memref<!tpu.dma_semaphore, #tpu.memory_space<semaphore_mem>>)
        } else {
        }
        %dma_wait3A_67 = arith.constant 0 : i32
        %dma_wait3A_68 = arith.constant 0 : i32
        %dma_wait3A_69 = tpu.memref_slice %arg2[%dma_wait3A_67, %dma_wait3A_68] : memref<10112x128xf32, #tpu.memory_space<hbm>> -> memref<128x128xf32, #tpu.memory_space<hbm>>
        %dma_wait3A_70 = arith.constant 0 : i32
        %dma_wait3A_71 = arith.constant 0 : i32
        %dma_wait3A_72 = tpu.memref_slice %arg2[%dma_wait3A_70, %dma_wait3A_71] : memref<10112x128xf32, #tpu.memory_space<hbm>> -> memref<128x128xf32, #tpu.memory_space<hbm>>
        tpu.wait_dma2 semaphore(%arg12 : memref<!tpu.dma_semaphore, #tpu.memory_space<semaphore_mem>>) src(%dma_wait3A_72 : memref<128x128xf32, #tpu.memory_space<hbm>>) dst(%arg9 : memref<128x128xf32, #tpu.memory_space<vmem>>)
        %add3A_73 = arith.addi %add3A, %mul3A_34 : i32
        %add3A_74 = arith.constant 1 : i32
        %add3A_75 = arith.addi %add3A_73, %add3A_74 : i32
        %mul3A_76 = arith.constant 128 : i32
        %mul3A_77 = arith.muli %add3A_75, %mul3A_76 : i32
        %eq3A_78 = arith.constant 0 : i32
        %eq3A_79 = arith.cmpi eq, %arg0, %eq3A_78 : i32
        %convert_element_type3A_80 = arith.extui %eq3A_79 : i1 to i32
        %cond3A_81 = arith.constant 0 : i32
        %cond3A_82 = arith.cmpi ne, %convert_element_type3A_80, %cond3A_81 : i32
        scf.if %cond3A_82 {
          "tpu.region"() ({
            %run_scoped3A = tpu.sem_alloc : memref<!tpu.dma_semaphore, #tpu.memory_space<semaphore_mem>>
            %dma_start3A_88 = arith.constant 0 : i32
            %dma_start3A_89 = tpu.memref_slice %arg5[%mul3A_77, %dma_start3A_88] : memref<327680x128xf32, #tpu.memory_space<hbm>> -> memref<128x128xf32, #tpu.memory_space<hbm>>
            %dma_start3A_90 = arith.constant 0 : i32
            %dma_start3A_91 = tpu.memref_slice %arg5[%mul3A_77, %dma_start3A_90] : memref<327680x128xf32, #tpu.memory_space<hbm>> -> memref<128x128xf32, #tpu.memory_space<hbm>>
            tpu.enqueue_dma source(%arg9 : memref<128x128xf32, #tpu.memory_space<vmem>>) target(%dma_start3A_91 : memref<128x128xf32, #tpu.memory_space<hbm>>) target_semaphore(%run_scoped3A : memref<!tpu.dma_semaphore, #tpu.memory_space<semaphore_mem>>)
            %dma_wait3A_92 = arith.constant 0 : i32
            %dma_wait3A_93 = tpu.memref_slice %arg5[%mul3A_77, %dma_wait3A_92] : memref<327680x128xf32, #tpu.memory_space<hbm>> -> memref<128x128xf32, #tpu.memory_space<hbm>>
            %dma_wait3A_94 = arith.constant 0 : i32
            %dma_wait3A_95 = tpu.memref_slice %arg5[%mul3A_77, %dma_wait3A_94] : memref<327680x128xf32, #tpu.memory_space<hbm>> -> memref<128x128xf32, #tpu.memory_space<hbm>>
            tpu.wait_dma2 semaphore(%run_scoped3A : memref<!tpu.dma_semaphore, #tpu.memory_space<semaphore_mem>>) src(%arg9 : memref<128x128xf32, #tpu.memory_space<vmem>>) dst(%dma_wait3A_95 : memref<128x128xf32, #tpu.memory_space<hbm>>)
            tpu.yield
          }) : () -> ()
        } else {
        }
        %eq3A_83 = arith.constant 1 : i32
        %eq3A_84 = arith.cmpi eq, %arg0, %eq3A_83 : i32
        %convert_element_type3A_85 = arith.extui %eq3A_84 : i1 to i32
        %cond3A_86 = arith.constant 0 : i32
        %cond3A_87 = arith.cmpi ne, %convert_element_type3A_85, %cond3A_86 : i32
        scf.if %cond3A_87 {
          "tpu.region"() ({
            %run_scoped3A = tpu.sem_alloc : memref<!tpu.dma_semaphore, #tpu.memory_space<semaphore_mem>>
            %dma_start3A_88 = arith.constant 0 : i32
            %dma_start3A_89 = tpu.memref_slice %arg6[%mul3A_77, %dma_start3A_88] : memref<327680x128xf32, #tpu.memory_space<hbm>> -> memref<128x128xf32, #tpu.memory_space<hbm>>
            %dma_start3A_90 = arith.constant 0 : i32
            %dma_start3A_91 = tpu.memref_slice %arg6[%mul3A_77, %dma_start3A_90] : memref<327680x128xf32, #tpu.memory_space<hbm>> -> memref<128x128xf32, #tpu.memory_space<hbm>>
            tpu.enqueue_dma source(%arg9 : memref<128x128xf32, #tpu.memory_space<vmem>>) target(%dma_start3A_91 : memref<128x128xf32, #tpu.memory_space<hbm>>) target_semaphore(%run_scoped3A : memref<!tpu.dma_semaphore, #tpu.memory_space<semaphore_mem>>)
            %dma_wait3A_92 = arith.constant 0 : i32
            %dma_wait3A_93 = tpu.memref_slice %arg6[%mul3A_77, %dma_wait3A_92] : memref<327680x128xf32, #tpu.memory_space<hbm>> -> memref<128x128xf32, #tpu.memory_space<hbm>>
            %dma_wait3A_94 = arith.constant 0 : i32
            %dma_wait3A_95 = tpu.memref_slice %arg6[%mul3A_77, %dma_wait3A_94] : memref<327680x128xf32, #tpu.memory_space<hbm>> -> memref<128x128xf32, #tpu.memory_space<hbm>>
            tpu.wait_dma2 semaphore(%run_scoped3A : memref<!tpu.dma_semaphore, #tpu.memory_space<semaphore_mem>>) src(%arg9 : memref<128x128xf32, #tpu.memory_space<vmem>>) dst(%dma_wait3A_95 : memref<128x128xf32, #tpu.memory_space<hbm>>)
            tpu.yield
          }) : () -> ()
        } else {
        }
      }
      %scan3A_31 = arith.constant 8 : i32
    }
    %scan3A_7 = arith.constant 10 : i32
    return
  }
}

module attributes {stable_mosaic.version = 14 : i64} {
  func.func @_hsum_body(%arg0: i32, %arg1: memref<1x128x128xf32, #tpu.memory_space<vmem>>, %arg2: memref<1x128x128xf32, #tpu.memory_space<vmem>>, %arg3: memref<128x128xf32, #tpu.memory_space<vmem>>, %arg4: memref<1x128xf32, #tpu.memory_space<vmem>>, %arg5: memref<128x128xf32, #tpu.memory_space<vmem>>, %arg6: memref<128x128xf32, #tpu.memory_space<vmem>>) attributes {dimension_semantics = [#tpu.dimension_semantics<arbitrary>], iteration_bounds = array<i64: 79>, scalar_prefetch = 0 : i64, scratch_operands = 0 : i64, tpu.core_type = #tpu.core_type<tc>, window_params = [{transform_indices = @transform_0, window_bounds = array<i64: 1, 128, 128>}, {transform_indices = @transform_1, window_bounds = array<i64: 1, 128, 128>}, {pipeline_mode = #tpu.pipeline_mode<synchronous>, transform_indices = @transform_2, window_bounds = array<i64: 128, 128>}, {pipeline_mode = #tpu.pipeline_mode<synchronous>, transform_indices = @transform_3, window_bounds = array<i64: 1, 128>}, {transform_indices = @transform_4, window_bounds = array<i64: 128, 128>}, {transform_indices = @transform_5, window_bounds = array<i64: 128, 128>}]} {
    %get3A = arith.constant 0 : index
    %get3A_0 = arith.constant 0 : index
    %get3A_1 = arith.constant 0 : index
    %get3A_2 = vector.load %arg1[%get3A, %get3A_0, %get3A_1] : memref<1x128x128xf32, #tpu.memory_space<vmem>>, vector<1x128x128xf32>
    %get3A_3 = vector.shape_cast %get3A_2 : vector<1x128x128xf32> to vector<128x128xf32>
    %get3A_4 = arith.constant 0 : index
    %get3A_5 = arith.constant 0 : index
    %get3A_6 = arith.constant 0 : index
    %get3A_7 = vector.load %arg2[%get3A_4, %get3A_5, %get3A_6] : memref<1x128x128xf32, #tpu.memory_space<vmem>>, vector<1x128x128xf32>
    %get3A_8 = vector.shape_cast %get3A_7 : vector<1x128x128xf32> to vector<128x128xf32>
    %add3A = arith.addf %get3A_3, %get3A_8 : vector<128x128xf32>
    %swap3A = arith.constant 0 : index
    %swap3A_9 = arith.constant 0 : index
    %swap3A_10 = vector.load %arg5[%swap3A, %swap3A_9] : memref<128x128xf32, #tpu.memory_space<vmem>>, vector<128x128xf32>
    tpu.vector_store %arg5[%swap3A, %swap3A_9], %add3A {strides = array<i32>} : memref<128x128xf32, #tpu.memory_space<vmem>>, vector<128x128xf32>,
    %get3A_11 = arith.constant 0 : index
    %get3A_12 = arith.constant 0 : index
    %get3A_13 = vector.load %arg3[%get3A_11, %get3A_12] : memref<128x128xf32, #tpu.memory_space<vmem>>, vector<128x128xf32>
    %dot_general3A = arith.constant dense<0.000000e+00> : vector<128x128xf32>
    %dot_general3A_14 = tpu.matmul %add3A, %get3A_13, %dot_general3A {dimension_numbers = #tpu.dot_dimension_numbers<[1], [0], [0], [1], [0, 0, 1, 1], [], []>, transpose_lhs_hint = false} : vector<128x128xf32>, vector<128x128xf32>, vector<128x128xf32> -> vector<128x128xf32>
    %get3A_15 = arith.constant 0 : index
    %get3A_16 = arith.constant 0 : index
    %get3A_17 = vector.load %arg4[%get3A_15, %get3A_16] : memref<1x128xf32, #tpu.memory_space<vmem>>, vector<1x128xf32>
    %add3A_18 = vector.broadcast %get3A_17 : vector<1x128xf32> to vector<128x128xf32>
    %add3A_19 = arith.addf %dot_general3A_14, %add3A_18 : vector<128x128xf32>
    %max3A = arith.constant 0.000000e+00 : f32
    %max3A_20 = vector.broadcast %max3A : f32 to vector<128x128xf32>
    %max3A_21 = arith.maximumf %add3A_19, %max3A_20 : vector<128x128xf32>
    %swap3A_22 = arith.constant 0 : index
    %swap3A_23 = arith.constant 0 : index
    %swap3A_24 = vector.load %arg6[%swap3A_22, %swap3A_23] : memref<128x128xf32, #tpu.memory_space<vmem>>, vector<128x128xf32>
    tpu.vector_store %arg6[%swap3A_22, %swap3A_23], %max3A_21 {strides = array<i32>} : memref<128x128xf32, #tpu.memory_space<vmem>>, vector<128x128xf32>,
    return
  }
  func.func @transform_0(%arg0: i32) -> (i32, i32, i32) {
    %c0_i32 = arith.constant 0 : i32
    %c0_i32_0 = arith.constant 0 : i32
    %c0_i32_1 = arith.constant 0 : i32
    return %c0_i32, %arg0, %c0_i32_0 : i32, i32, i32
  }
  func.func @transform_1(%arg0: i32) -> (i32, i32, i32) {
    %c1_i32 = arith.constant 1 : i32
    %c0_i32 = arith.constant 0 : i32
    %c0_i32_0 = arith.constant 0 : i32
    return %c1_i32, %arg0, %c0_i32 : i32, i32, i32
  }
  func.func @transform_2(%arg0: i32) -> (i32, i32) {
    %c0_i32 = arith.constant 0 : i32
    %c0_i32_0 = arith.constant 0 : i32
    %c0_i32_1 = arith.constant 0 : i32
    return %c0_i32, %c0_i32_0 : i32, i32
  }
  func.func @transform_3(%arg0: i32) -> (i32, i32) {
    %c0_i32 = arith.constant 0 : i32
    %c0_i32_0 = arith.constant 0 : i32
    %c0_i32_1 = arith.constant 0 : i32
    return %c0_i32, %c0_i32_0 : i32, i32
  }
  func.func @transform_4(%arg0: i32) -> (i32, i32) {
    %c0_i32 = arith.constant 0 : i32
    %c0_i32_0 = arith.constant 0 : i32
    return %arg0, %c0_i32 : i32, i32
  }
  func.func @transform_5(%arg0: i32) -> (i32, i32) {
    %c0_i32 = arith.constant 0 : i32
    %c0_i32_0 = arith.constant 0 : i32
    return %arg0, %c0_i32 : i32, i32
  }
}

module attributes {stable_mosaic.version = 14 : i64} {
  func.func @_papp_body(%arg0: i32, %arg1: memref<3200x16xf32, #tpu.memory_space<vmem>>, %arg2: memref<16x128xf32, #tpu.memory_space<vmem>>, %arg3: memref<1x128xf32, #tpu.memory_space<vmem>>, %arg4: memref<16x128xf32, #tpu.memory_space<vmem>>, %arg5: memref<1x128xf32, #tpu.memory_space<vmem>>, %arg6: memref<3200x128xf32, #tpu.memory_space<vmem>>, %arg7: memref<3200x128xbf16, #tpu.memory_space<vmem>>) attributes {dimension_semantics = [#tpu.dimension_semantics<arbitrary>], iteration_bounds = array<i64: 100>, scalar_prefetch = 0 : i64, scratch_operands = 0 : i64, tpu.core_type = #tpu.core_type<tc>, window_params = [{transform_indices = @transform_0, window_bounds = array<i64: 3200, 16>}, {pipeline_mode = #tpu.pipeline_mode<synchronous>, transform_indices = @transform_1, window_bounds = array<i64: 16, 128>}, {pipeline_mode = #tpu.pipeline_mode<synchronous>, transform_indices = @transform_2, window_bounds = array<i64: 1, 128>}, {pipeline_mode = #tpu.pipeline_mode<synchronous>, transform_indices = @transform_3, window_bounds = array<i64: 16, 128>}, {pipeline_mode = #tpu.pipeline_mode<synchronous>, transform_indices = @transform_4, window_bounds = array<i64: 1, 128>}, {transform_indices = @transform_5, window_bounds = array<i64: 3200, 128>}, {transform_indices = @transform_6, window_bounds = array<i64: 3200, 128>}]} {
    %get3A = arith.constant 0 : index
    %get3A_0 = arith.constant 0 : index
    %get3A_1 = vector.load %arg1[%get3A, %get3A_0] : memref<3200x16xf32, #tpu.memory_space<vmem>>, vector<3200x16xf32>
    %get3A_2 = arith.constant 0 : index
    %get3A_3 = arith.constant 0 : index
    %get3A_4 = vector.load %arg2[%get3A_2, %get3A_3] : memref<16x128xf32, #tpu.memory_space<vmem>>, vector<16x128xf32>
    %dot_general3A = arith.constant dense<0.000000e+00> : vector<3200x128xf32>
    %dot_general3A_5 = tpu.matmul %get3A_1, %get3A_4, %dot_general3A {dimension_numbers = #tpu.dot_dimension_numbers<[1], [0], [0], [1], [0, 0, 1, 1], [], []>, transpose_lhs_hint = false} : vector<3200x16xf32>, vector<16x128xf32>, vector<3200x128xf32> -> vector<3200x128xf32>
    %get3A_6 = arith.constant 0 : index
    %get3A_7 = arith.constant 0 : index
    %get3A_8 = vector.load %arg3[%get3A_6, %get3A_7] : memref<1x128xf32, #tpu.memory_space<vmem>>, vector<1x128xf32>
    %add3A = vector.broadcast %get3A_8 : vector<1x128xf32> to vector<3200x128xf32>
    %add3A_9 = arith.addf %dot_general3A_5, %add3A : vector<3200x128xf32>
    %max3A = arith.constant 0.000000e+00 : f32
    %max3A_10 = vector.broadcast %max3A : f32 to vector<3200x128xf32>
    %max3A_11 = arith.maximumf %add3A_9, %max3A_10 : vector<3200x128xf32>
    %swap3A = arith.constant 0 : index
    %swap3A_12 = arith.constant 0 : index
    %swap3A_13 = vector.load %arg6[%swap3A, %swap3A_12] : memref<3200x128xf32, #tpu.memory_space<vmem>>, vector<3200x128xf32>
    tpu.vector_store %arg6[%swap3A, %swap3A_12], %max3A_11 {strides = array<i32>} : memref<3200x128xf32, #tpu.memory_space<vmem>>, vector<3200x128xf32>,
    %get3A_14 = arith.constant 0 : index
    %get3A_15 = arith.constant 0 : index
    %get3A_16 = vector.load %arg4[%get3A_14, %get3A_15] : memref<16x128xf32, #tpu.memory_space<vmem>>, vector<16x128xf32>
    %dot_general3A_17 = arith.constant dense<0.000000e+00> : vector<3200x128xf32>
    %dot_general3A_18 = tpu.matmul %get3A_1, %get3A_16, %dot_general3A_17 {dimension_numbers = #tpu.dot_dimension_numbers<[1], [0], [0], [1], [0, 0, 1, 1], [], []>, transpose_lhs_hint = false} : vector<3200x16xf32>, vector<16x128xf32>, vector<3200x128xf32> -> vector<3200x128xf32>
    %get3A_19 = arith.constant 0 : index
    %get3A_20 = arith.constant 0 : index
    %get3A_21 = vector.load %arg5[%get3A_19, %get3A_20] : memref<1x128xf32, #tpu.memory_space<vmem>>, vector<1x128xf32>
    %add3A_22 = vector.broadcast %get3A_21 : vector<1x128xf32> to vector<3200x128xf32>
    %add3A_23 = arith.addf %dot_general3A_18, %add3A_22 : vector<3200x128xf32>
    %max3A_24 = arith.constant 0.000000e+00 : f32
    %max3A_25 = vector.broadcast %max3A_24 : f32 to vector<3200x128xf32>
    %max3A_26 = arith.maximumf %add3A_23, %max3A_25 : vector<3200x128xf32>
    %convert_element_type3A = arith.truncf %max3A_26 : vector<3200x128xf32> to vector<3200x128xbf16>
    %swap3A_27 = arith.constant 0 : index
    %swap3A_28 = arith.constant 0 : index
    %swap3A_29 = vector.load %arg7[%swap3A_27, %swap3A_28] : memref<3200x128xbf16, #tpu.memory_space<vmem>>, vector<3200x128xbf16>
    tpu.vector_store %arg7[%swap3A_27, %swap3A_28], %convert_element_type3A {strides = array<i32>} : memref<3200x128xbf16, #tpu.memory_space<vmem>>, vector<3200x128xbf16>,
    return
  }
  func.func @transform_0(%arg0: i32) -> (i32, i32) {
    %c0_i32 = arith.constant 0 : i32
    %c0_i32_0 = arith.constant 0 : i32
    return %arg0, %c0_i32 : i32, i32
  }
  func.func @transform_1(%arg0: i32) -> (i32, i32) {
    %c0_i32 = arith.constant 0 : i32
    %c0_i32_0 = arith.constant 0 : i32
    %c0_i32_1 = arith.constant 0 : i32
    return %c0_i32, %c0_i32_0 : i32, i32
  }
  func.func @transform_2(%arg0: i32) -> (i32, i32) {
    %c0_i32 = arith.constant 0 : i32
    %c0_i32_0 = arith.constant 0 : i32
    %c0_i32_1 = arith.constant 0 : i32
    return %c0_i32, %c0_i32_0 : i32, i32
  }
  func.func @transform_3(%arg0: i32) -> (i32, i32) {
    %c0_i32 = arith.constant 0 : i32
    %c0_i32_0 = arith.constant 0 : i32
    %c0_i32_1 = arith.constant 0 : i32
    return %c0_i32, %c0_i32_0 : i32, i32
  }
  func.func @transform_4(%arg0: i32) -> (i32, i32) {
    %c0_i32 = arith.constant 0 : i32
    %c0_i32_0 = arith.constant 0 : i32
    %c0_i32_1 = arith.constant 0 : i32
    return %c0_i32, %c0_i32_0 : i32, i32
  }
  func.func @transform_5(%arg0: i32) -> (i32, i32) {
    %c0_i32 = arith.constant 0 : i32
    %c0_i32_0 = arith.constant 0 : i32
    return %arg0, %c0_i32 : i32, i32
  }
  func.func @transform_6(%arg0: i32) -> (i32, i32) {
    %c0_i32 = arith.constant 0 : i32
    %c0_i32_0 = arith.constant 0 : i32
    return %arg0, %c0_i32 : i32, i32
  }
}

module attributes {stable_mosaic.version = 14 : i64} {
  func.func @_pair_body(%arg0: i32, %arg1: memref<1280x128xf32, #tpu.memory_space<vmem>>, %arg2: memref<1280x128xf32, #tpu.memory_space<vmem>>, %arg3: memref<1280x128xbf16, #tpu.memory_space<vmem>>, %arg4: memref<128x128xf32, #tpu.memory_space<vmem>>, %arg5: memref<128x128xf32, #tpu.memory_space<vmem>>, %arg6: memref<1x128xf32, #tpu.memory_space<vmem>>, %arg7: memref<128x128xf32, #tpu.memory_space<vmem>>, %arg8: memref<128x128xf32, #tpu.memory_space<vmem>>, %arg9: memref<1x128xf32, #tpu.memory_space<vmem>>, %arg10: memref<1280x128xf32, #tpu.memory_space<vmem>>) attributes {dimension_semantics = [#tpu.dimension_semantics<arbitrary>], iteration_bounds = array<i64: 250>, scalar_prefetch = 0 : i64, scratch_operands = 0 : i64, tpu.core_type = #tpu.core_type<tc>, window_params = [{transform_indices = @transform_0, window_bounds = array<i64: 1280, 128>}, {transform_indices = @transform_1, window_bounds = array<i64: 1280, 128>}, {transform_indices = @transform_2, window_bounds = array<i64: 1280, 128>}, {pipeline_mode = #tpu.pipeline_mode<synchronous>, transform_indices = @transform_3, window_bounds = array<i64: 128, 128>}, {pipeline_mode = #tpu.pipeline_mode<synchronous>, transform_indices = @transform_4, window_bounds = array<i64: 128, 128>}, {pipeline_mode = #tpu.pipeline_mode<synchronous>, transform_indices = @transform_5, window_bounds = array<i64: 1, 128>}, {pipeline_mode = #tpu.pipeline_mode<synchronous>, transform_indices = @transform_6, window_bounds = array<i64: 128, 128>}, {pipeline_mode = #tpu.pipeline_mode<synchronous>, transform_indices = @transform_7, window_bounds = array<i64: 128, 128>}, {pipeline_mode = #tpu.pipeline_mode<synchronous>, transform_indices = @transform_8, window_bounds = array<i64: 1, 128>}, {transform_indices = @transform_9, window_bounds = array<i64: 1280, 128>}]} {
    %get3A = arith.constant 0 : index
    %get3A_0 = arith.constant 0 : index
    %get3A_1 = vector.load %arg1[%get3A, %get3A_0] : memref<1280x128xf32, #tpu.memory_space<vmem>>, vector<1280x128xf32>
    %get3A_2 = arith.constant 0 : index
    %get3A_3 = arith.constant 0 : index
    %get3A_4 = vector.load %arg2[%get3A_2, %get3A_3] : memref<1280x128xf32, #tpu.memory_space<vmem>>, vector<1280x128xf32>
    %get3A_5 = arith.constant 0 : index
    %get3A_6 = arith.constant 0 : index
    %get3A_7 = vector.load %arg4[%get3A_5, %get3A_6] : memref<128x128xf32, #tpu.memory_space<vmem>>, vector<128x128xf32>
    %dot_general3A = arith.constant dense<0.000000e+00> : vector<1280x128xf32>
    %dot_general3A_8 = tpu.matmul %get3A_1, %get3A_7, %dot_general3A {dimension_numbers = #tpu.dot_dimension_numbers<[1], [0], [0], [1], [0, 0, 1, 1], [], []>, transpose_lhs_hint = false} : vector<1280x128xf32>, vector<128x128xf32>, vector<1280x128xf32> -> vector<1280x128xf32>
    %get3A_9 = arith.constant 0 : index
    %get3A_10 = arith.constant 0 : index
    %get3A_11 = vector.load %arg5[%get3A_9, %get3A_10] : memref<128x128xf32, #tpu.memory_space<vmem>>, vector<128x128xf32>
    %dot_general3A_12 = arith.constant dense<0.000000e+00> : vector<1280x128xf32>
    %dot_general3A_13 = tpu.matmul %get3A_4, %get3A_11, %dot_general3A_12 {dimension_numbers = #tpu.dot_dimension_numbers<[1], [0], [0], [1], [0, 0, 1, 1], [], []>, transpose_lhs_hint = false} : vector<1280x128xf32>, vector<128x128xf32>, vector<1280x128xf32> -> vector<1280x128xf32>
    %add3A = arith.addf %dot_general3A_8, %dot_general3A_13 : vector<1280x128xf32>
    %get3A_14 = arith.constant 0 : index
    %get3A_15 = arith.constant 0 : index
    %get3A_16 = vector.load %arg6[%get3A_14, %get3A_15] : memref<1x128xf32, #tpu.memory_space<vmem>>, vector<1x128xf32>
    %add3A_17 = vector.broadcast %get3A_16 : vector<1x128xf32> to vector<1280x128xf32>
    %add3A_18 = arith.addf %add3A, %add3A_17 : vector<1280x128xf32>
    %max3A = arith.constant 0.000000e+00 : f32
    %max3A_19 = vector.broadcast %max3A : f32 to vector<1280x128xf32>
    %max3A_20 = arith.maximumf %add3A_18, %max3A_19 : vector<1280x128xf32>
    %get3A_21 = arith.constant 0 : index
    %get3A_22 = arith.constant 0 : index
    %get3A_23 = vector.load %arg4[%get3A_21, %get3A_22] : memref<128x128xf32, #tpu.memory_space<vmem>>, vector<128x128xf32>
    %dot_general3A_24 = arith.constant dense<0.000000e+00> : vector<1280x128xf32>
    %dot_general3A_25 = tpu.matmul %get3A_4, %get3A_23, %dot_general3A_24 {dimension_numbers = #tpu.dot_dimension_numbers<[1], [0], [0], [1], [0, 0, 1, 1], [], []>, transpose_lhs_hint = false} : vector<1280x128xf32>, vector<128x128xf32>, vector<1280x128xf32> -> vector<1280x128xf32>
    %get3A_26 = arith.constant 0 : index
    %get3A_27 = arith.constant 0 : index
    %get3A_28 = vector.load %arg5[%get3A_26, %get3A_27] : memref<128x128xf32, #tpu.memory_space<vmem>>, vector<128x128xf32>
    %dot_general3A_29 = arith.constant dense<0.000000e+00> : vector<1280x128xf32>
    %dot_general3A_30 = tpu.matmul %get3A_1, %get3A_28, %dot_general3A_29 {dimension_numbers = #tpu.dot_dimension_numbers<[1], [0], [0], [1], [0, 0, 1, 1], [], []>, transpose_lhs_hint = false} : vector<1280x128xf32>, vector<128x128xf32>, vector<1280x128xf32> -> vector<1280x128xf32>
    %add3A_31 = arith.addf %dot_general3A_25, %dot_general3A_30 : vector<1280x128xf32>
    %get3A_32 = arith.constant 0 : index
    %get3A_33 = arith.constant 0 : index
    %get3A_34 = vector.load %arg6[%get3A_32, %get3A_33] : memref<1x128xf32, #tpu.memory_space<vmem>>, vector<1x128xf32>
    %add3A_35 = vector.broadcast %get3A_34 : vector<1x128xf32> to vector<1280x128xf32>
    %add3A_36 = arith.addf %add3A_31, %add3A_35 : vector<1280x128xf32>
    %max3A_37 = arith.constant 0.000000e+00 : f32
    %max3A_38 = vector.broadcast %max3A_37 : f32 to vector<1280x128xf32>
    %max3A_39 = arith.maximumf %add3A_36, %max3A_38 : vector<1280x128xf32>
    %add3A_40 = arith.addf %max3A_20, %max3A_39 : vector<1280x128xf32>
    %get3A_41 = arith.constant 0 : index
    %get3A_42 = arith.constant 0 : index
    %get3A_43 = vector.load %arg3[%get3A_41, %get3A_42] : memref<1280x128xbf16, #tpu.memory_space<vmem>>, vector<1280x128xbf16>
    %convert_element_type3A = arith.extf %get3A_43 : vector<1280x128xbf16> to vector<1280x128xf32>
    %get3A_44 = arith.constant 0 : index
    %get3A_45 = arith.constant 0 : index
    %get3A_46 = vector.load %arg7[%get3A_44, %get3A_45] : memref<128x128xf32, #tpu.memory_space<vmem>>, vector<128x128xf32>
    %dot_general3A_47 = arith.constant dense<0.000000e+00> : vector<1280x128xf32>
    %dot_general3A_48 = tpu.matmul %add3A_40, %get3A_46, %dot_general3A_47 {dimension_numbers = #tpu.dot_dimension_numbers<[1], [0], [0], [1], [0, 0, 1, 1], [], []>, transpose_lhs_hint = false} : vector<1280x128xf32>, vector<128x128xf32>, vector<1280x128xf32> -> vector<1280x128xf32>
    %get3A_49 = arith.constant 0 : index
    %get3A_50 = arith.constant 0 : index
    %get3A_51 = vector.load %arg8[%get3A_49, %get3A_50] : memref<128x128xf32, #tpu.memory_space<vmem>>, vector<128x128xf32>
    %dot_general3A_52 = arith.constant dense<0.000000e+00> : vector<1280x128xf32>
    %dot_general3A_53 = tpu.matmul %convert_element_type3A, %get3A_51, %dot_general3A_52 {dimension_numbers = #tpu.dot_dimension_numbers<[1], [0], [0], [1], [0, 0, 1, 1], [], []>, transpose_lhs_hint = false} : vector<1280x128xf32>, vector<128x128xf32>, vector<1280x128xf32> -> vector<1280x128xf32>
    %add3A_54 = arith.addf %dot_general3A_48, %dot_general3A_53 : vector<1280x128xf32>
    %get3A_55 = arith.constant 0 : index
    %get3A_56 = arith.constant 0 : index
    %get3A_57 = vector.load %arg9[%get3A_55, %get3A_56] : memref<1x128xf32, #tpu.memory_space<vmem>>, vector<1x128xf32>
    %add3A_58 = vector.broadcast %get3A_57 : vector<1x128xf32> to vector<1280x128xf32>
    %add3A_59 = arith.addf %add3A_54, %add3A_58 : vector<1280x128xf32>
    %max3A_60 = arith.constant 0.000000e+00 : f32
    %max3A_61 = vector.broadcast %max3A_60 : f32 to vector<1280x128xf32>
    %max3A_62 = arith.maximumf %add3A_59, %max3A_61 : vector<1280x128xf32>
    %swap3A = arith.constant 0 : index
    %swap3A_63 = arith.constant 0 : index
    %swap3A_64 = vector.load %arg10[%swap3A, %swap3A_63] : memref<1280x128xf32, #tpu.memory_space<vmem>>, vector<1280x128xf32>
    tpu.vector_store %arg10[%swap3A, %swap3A_63], %max3A_62 {strides = array<i32>} : memref<1280x128xf32, #tpu.memory_space<vmem>>, vector<1280x128xf32>,
    return
  }
  func.func @transform_0(%arg0: i32) -> (i32, i32) {
    %c0_i32 = arith.constant 0 : i32
    %c0_i32_0 = arith.constant 0 : i32
    return %arg0, %c0_i32 : i32, i32
  }
  func.func @transform_1(%arg0: i32) -> (i32, i32) {
    %c0_i32 = arith.constant 0 : i32
    %c0_i32_0 = arith.constant 0 : i32
    return %arg0, %c0_i32 : i32, i32
  }
  func.func @transform_2(%arg0: i32) -> (i32, i32) {
    %c0_i32 = arith.constant 0 : i32
    %c0_i32_0 = arith.constant 0 : i32
    return %arg0, %c0_i32 : i32, i32
  }
  func.func @transform_3(%arg0: i32) -> (i32, i32) {
    %c0_i32 = arith.constant 0 : i32
    %c0_i32_0 = arith.constant 0 : i32
    %c0_i32_1 = arith.constant 0 : i32
    return %c0_i32, %c0_i32_0 : i32, i32
  }
  func.func @transform_4(%arg0: i32) -> (i32, i32) {
    %c0_i32 = arith.constant 0 : i32
    %c0_i32_0 = arith.constant 0 : i32
    %c0_i32_1 = arith.constant 0 : i32
    return %c0_i32, %c0_i32_0 : i32, i32
  }
  func.func @transform_5(%arg0: i32) -> (i32, i32) {
    %c0_i32 = arith.constant 0 : i32
    %c0_i32_0 = arith.constant 0 : i32
    %c0_i32_1 = arith.constant 0 : i32
    return %c0_i32, %c0_i32_0 : i32, i32
  }
  func.func @transform_6(%arg0: i32) -> (i32, i32) {
    %c0_i32 = arith.constant 0 : i32
    %c0_i32_0 = arith.constant 0 : i32
    %c0_i32_1 = arith.constant 0 : i32
    return %c0_i32, %c0_i32_0 : i32, i32
  }
  func.func @transform_7(%arg0: i32) -> (i32, i32) {
    %c0_i32 = arith.constant 0 : i32
    %c0_i32_0 = arith.constant 0 : i32
    %c0_i32_1 = arith.constant 0 : i32
    return %c0_i32, %c0_i32_0 : i32, i32
  }
  func.func @transform_8(%arg0: i32) -> (i32, i32) {
    %c0_i32 = arith.constant 0 : i32
    %c0_i32_0 = arith.constant 0 : i32
    %c0_i32_1 = arith.constant 0 : i32
    return %c0_i32, %c0_i32_0 : i32, i32
  }
  func.func @transform_9(%arg0: i32) -> (i32, i32) {
    %c0_i32 = arith.constant 0 : i32
    %c0_i32_0 = arith.constant 0 : i32
    return %arg0, %c0_i32 : i32, i32
  }
}

module attributes {stable_mosaic.version = 14 : i64} {
  func.func @_atom_body(%arg0: i32, %arg1: memref<1000x128xf32, #tpu.memory_space<vmem>>, %arg2: memref<1x1000x128xf32, #tpu.memory_space<vmem>>, %arg3: memref<1x1000x128xf32, #tpu.memory_space<vmem>>, %arg4: memref<128x128xf32, #tpu.memory_space<vmem>>, %arg5: memref<128x128xf32, #tpu.memory_space<vmem>>, %arg6: memref<1x128xf32, #tpu.memory_space<vmem>>, %arg7: memref<1000x128xf32, #tpu.memory_space<vmem>>) attributes {dimension_semantics = [#tpu.dimension_semantics<arbitrary>], iteration_bounds = array<i64: 10>, scalar_prefetch = 0 : i64, scratch_operands = 0 : i64, tpu.core_type = #tpu.core_type<tc>, window_params = [{transform_indices = @transform_0, window_bounds = array<i64: 1000, 128>}, {transform_indices = @transform_1, window_bounds = array<i64: 1, 1000, 128>}, {transform_indices = @transform_2, window_bounds = array<i64: 1, 1000, 128>}, {pipeline_mode = #tpu.pipeline_mode<synchronous>, transform_indices = @transform_3, window_bounds = array<i64: 128, 128>}, {pipeline_mode = #tpu.pipeline_mode<synchronous>, transform_indices = @transform_4, window_bounds = array<i64: 128, 128>}, {pipeline_mode = #tpu.pipeline_mode<synchronous>, transform_indices = @transform_5, window_bounds = array<i64: 1, 128>}, {transform_indices = @transform_6, window_bounds = array<i64: 1000, 128>}]} {
    %get3A = arith.constant 0 : index
    %get3A_0 = arith.constant 0 : index
    %get3A_1 = arith.constant 0 : index
    %get3A_2 = vector.load %arg2[%get3A, %get3A_0, %get3A_1] : memref<1x1000x128xf32, #tpu.memory_space<vmem>>, vector<1x1000x128xf32>
    %get3A_3 = vector.shape_cast %get3A_2 : vector<1x1000x128xf32> to vector<1000x128xf32>
    %get3A_4 = arith.constant 0 : index
    %get3A_5 = arith.constant 0 : index
    %get3A_6 = arith.constant 0 : index
    %get3A_7 = vector.load %arg3[%get3A_4, %get3A_5, %get3A_6] : memref<1x1000x128xf32, #tpu.memory_space<vmem>>, vector<1x1000x128xf32>
    %get3A_8 = vector.shape_cast %get3A_7 : vector<1x1000x128xf32> to vector<1000x128xf32>
    %add3A = arith.addf %get3A_3, %get3A_8 : vector<1000x128xf32>
    %get3A_9 = arith.constant 0 : index
    %get3A_10 = arith.constant 0 : index
    %get3A_11 = vector.load %arg1[%get3A_9, %get3A_10] : memref<1000x128xf32, #tpu.memory_space<vmem>>, vector<1000x128xf32>
    %get3A_12 = arith.constant 0 : index
    %get3A_13 = arith.constant 0 : index
    %get3A_14 = vector.load %arg4[%get3A_12, %get3A_13] : memref<128x128xf32, #tpu.memory_space<vmem>>, vector<128x128xf32>
    %dot_general3A = arith.constant dense<0.000000e+00> : vector<1000x128xf32>
    %dot_general3A_15 = tpu.matmul %get3A_11, %get3A_14, %dot_general3A {dimension_numbers = #tpu.dot_dimension_numbers<[1], [0], [0], [1], [0, 0, 1, 1], [], []>, transpose_lhs_hint = false} : vector<1000x128xf32>, vector<128x128xf32>, vector<1000x128xf32> -> vector<1000x128xf32>
    %get3A_16 = arith.constant 0 : index
    %get3A_17 = arith.constant 0 : index
    %get3A_18 = vector.load %arg5[%get3A_16, %get3A_17] : memref<128x128xf32, #tpu.memory_space<vmem>>, vector<128x128xf32>
    %dot_general3A_19 = arith.constant dense<0.000000e+00> : vector<1000x128xf32>
    %dot_general3A_20 = tpu.matmul %add3A, %get3A_18, %dot_general3A_19 {dimension_numbers = #tpu.dot_dimension_numbers<[1], [0], [0], [1], [0, 0, 1, 1], [], []>, transpose_lhs_hint = false} : vector<1000x128xf32>, vector<128x128xf32>, vector<1000x128xf32> -> vector<1000x128xf32>
    %add3A_21 = arith.addf %dot_general3A_15, %dot_general3A_20 : vector<1000x128xf32>
    %get3A_22 = arith.constant 0 : index
    %get3A_23 = arith.constant 0 : index
    %get3A_24 = vector.load %arg6[%get3A_22, %get3A_23] : memref<1x128xf32, #tpu.memory_space<vmem>>, vector<1x128xf32>
    %add3A_25 = vector.broadcast %get3A_24 : vector<1x128xf32> to vector<1000x128xf32>
    %add3A_26 = arith.addf %add3A_21, %add3A_25 : vector<1000x128xf32>
    %max3A = arith.constant 0.000000e+00 : f32
    %max3A_27 = vector.broadcast %max3A : f32 to vector<1000x128xf32>
    %max3A_28 = arith.maximumf %add3A_26, %max3A_27 : vector<1000x128xf32>
    %swap3A = arith.constant 0 : index
    %swap3A_29 = arith.constant 0 : index
    %swap3A_30 = vector.load %arg7[%swap3A, %swap3A_29] : memref<1000x128xf32, #tpu.memory_space<vmem>>, vector<1000x128xf32>
    tpu.vector_store %arg7[%swap3A, %swap3A_29], %max3A_28 {strides = array<i32>} : memref<1000x128xf32, #tpu.memory_space<vmem>>, vector<1000x128xf32>,
    return
  }
  func.func @transform_0(%arg0: i32) -> (i32, i32) {
    %c0_i32 = arith.constant 0 : i32
    %c0_i32_0 = arith.constant 0 : i32
    return %arg0, %c0_i32 : i32, i32
  }
  func.func @transform_1(%arg0: i32) -> (i32, i32, i32) {
    %c0_i32 = arith.constant 0 : i32
    %c0_i32_0 = arith.constant 0 : i32
    %c0_i32_1 = arith.constant 0 : i32
    return %c0_i32, %arg0, %c0_i32_0 : i32, i32, i32
  }
  func.func @transform_2(%arg0: i32) -> (i32, i32, i32) {
    %c1_i32 = arith.constant 1 : i32
    %c0_i32 = arith.constant 0 : i32
    %c0_i32_0 = arith.constant 0 : i32
    return %c1_i32, %arg0, %c0_i32 : i32, i32, i32
  }
  func.func @transform_3(%arg0: i32) -> (i32, i32) {
    %c0_i32 = arith.constant 0 : i32
    %c0_i32_0 = arith.constant 0 : i32
    %c0_i32_1 = arith.constant 0 : i32
    return %c0_i32, %c0_i32_0 : i32, i32
  }
  func.func @transform_4(%arg0: i32) -> (i32, i32) {
    %c0_i32 = arith.constant 0 : i32
    %c0_i32_0 = arith.constant 0 : i32
    %c0_i32_1 = arith.constant 0 : i32
    return %c0_i32, %c0_i32_0 : i32, i32
  }
  func.func @transform_5(%arg0: i32) -> (i32, i32) {
    %c0_i32 = arith.constant 0 : i32
    %c0_i32_0 = arith.constant 0 : i32
    %c0_i32_1 = arith.constant 0 : i32
    return %c0_i32, %c0_i32_0 : i32, i32
  }
  func.func @transform_6(%arg0: i32) -> (i32, i32) {
    %c0_i32 = arith.constant 0 : i32
    %c0_i32_0 = arith.constant 0 : i32
    return %arg0, %c0_i32 : i32, i32
  }
}

</mosaic_0001>

<sc_bundles>
// kernel: kernel.12.cloned.1.call-start
scs
__scs_entry_jumppad:
0x0: {  	(pc) =	sbr.rel $0x88, $3  }
0x1: {  	(tag) =	ssettag $0x0;
	lr =	simm.s32 $0x1  }
0x2: {  	[smem:$0x3F90] =	sst lr;
	_ =	strace $0xD0000000  }
0x3: {  	_ = 	snop  }
0x4: {  	_ = 	snop  }
0x5: {  	_ = 	snop  }
0x6: {  	_ = 	snop  }
0x7: {  	_ = 	snop  }
__scs_overlays_trampoline_lowered:
0x8: {  	[smem:$0x3F9F] =	sst s0  }
0x9: {  	[smem:$0x3FA0] =	sst s1  }
0xa: {  	[smem:$0x3FA1] =	sst s2  }
0xb: {  	[smem:$0x3FA2] =	sst s3  }
0xc: {  	[smem:$0x3FA3] =	sst s4  }
0xd: {  	[smem:$0x3FA4] =	sst s5  }
0xe: {  	[smem:$0x3FA5] =	sst s6  }
0xf: {  	[smem:$0x3FA6] =	sst s7  }
0x10: {  	[smem:$0x3FA7] =	sst s8  }
0x11: {  	[smem:$0x3FA8] =	sst s9;
	s0 =	simm.s32 @!p0 $0x0  }
0x12: {  	s1 =	sld [smem:$0x3F8E];
	s0 =	simm.s32 @p0 $0x1  }
0x13: {  	[smem:$0x3FA9] =	sst s0;
	s0 =	simm.s32 @!p1 $0x0  }
0x14: {  	s2 =	sld [smem:$0x3F8D];
	s0 =	simm.s32 @p1 $0x1  }
0x15: {  	[smem:$0x3FAA] =	sst s0;
	s0 =	simm.s32 @!p2 $0x0  }
0x16: {  	s3 =	sld [smem:$0x3FDB];
	s0 =	simm.s32 @p2 $0x1  }
0x17: {  	s4 =	simm.s32 $0x1BF5;
	[smem:$0x3FAC] =	sst s0  }
0x18: {  	s0 =	sld [smem:$0x3F8F];
	_ =	swait.ge [sflag:s4], $0x0  }
0x19: {  	s7 =	sld [smem:$0x3F90]  }
0x1a: {  	s8 =	sadd.s32 $0xFFFFE003, lr  }
0x1b: {  	s9 =	sadd.s32 $0xFFFFFEF7, lr;
	s5 =	simm.s32 $0xFFFFFFFF;
	p2 =	slt.u32 s8, $0xFFFFF086  }
0x1c: {  	p1 =	slt.u32 s9, $0xF7A;
	s5 =	simm.s32 @!p2 $0x0  }
0x1d: {  	s5 =	simm.s32 @p1 $0x1;
	p0 =	seq.s32 s7, s2  }
0x1e: {  	s7 =	smul.u32 @!p0 $0xF7A, s2;
	p2 =	seq.s32 @!p0 s5, $0x0  }
0x1f: {  	s9 =	smul.u32 $0xF7A, s1;
	s8 =	simm.s32 @!p0 $0x1BF5;
	p2 =	por !p2, p0  }
0x20: {  	[sflag:s8] =	ssyncset.s32 @!p0 $0xFFFFF086;
	s6 =	sadd.s32 @!p0 s3, s7;
	s7 =	simm.s32 @!p0 $0x108  }
0x21: {  	s3 =	sadd.s32 s3, s9;
	s6 =	sadd.s32 @!p0 $0x88, s6;
	s7 =	simm.s32 @p2 $0x1082  }
0x22: {  	[simem:s7], [sflag:s8] =	dma.local @!p0 [hbm:s6], $0xF7A  }
0x23: {  	s9 =	sor.u32 $0xD0000000, s2;
	s6 =	simm.s32 $0x108;
	_ =	swait.ge @!p0 [sflag:s8], $0x0  }
0x24: {  	s3 =	sadd.s32 $0x88, s3;
	s6 =	simm.s32 @!p1 $0x1082;
	[sflag:s4] =	ssyncset.s32 $0xFFFFF086  }
0x25: {  	[simem:s6], [sflag:s4] =	dma.local [hbm:s3], $0xF7A  }
0x26: {  	[smem:$0x3F90] =	sst s1;
	(tag) =	ssettag s2;
	_ =	strace s9  }
0x27: {  	s1 =	sld [smem:$0x3FA0]  }
0x28: {  	s2 =	sld [smem:$0x3FA1]  }
0x29: {  	s4 =	sld [smem:$0x3FA3]  }
0x2a: {  	p0 =	seq.s32 s5, $0x0;
	s5 =	sld [smem:$0x3FA4]  }
0x2b: {  	s6 =	sld [smem:$0x3FA5]  }
0x2c: {  	s7 =	sld [smem:$0x3FA6]  }
0x2d: {  	s3 =	simm.s32 $0x108;
	s8 =	sld [smem:$0x3FA7]  }
0x2e: {  	s3 =	simm.s32 @!p0 $0x1082;
	s9 =	sld [smem:$0x3FA8]  }
0x2f: {  	lr =	sadd.s32 s0, s3;
	s0 =	sld [smem:$0x3F9F]  }
0x30: {  	s3 =	sld [smem:$0x3FA2]  }
0x31: {  	[smem:$0x3FAB] =	sst s10  }
0x32: {  	s10 =	sld [smem:$0x3FA9];
	_ =	sdelay $0x3  }
0x33: {  	p0 =	seq.s32 s10, $0x1;
	s10 =	sld [smem:$0x3FAB];
	_ =	sdelay $0x3  }
0x34: {  	[smem:$0x3FAB] =	sst s10  }
0x35: {  	s10 =	sld [smem:$0x3FAA];
	_ =	sdelay $0x3  }
0x36: {  	p1 =	seq.s32 s10, $0x1;
	s10 =	sld [smem:$0x3FAB];
	_ =	sdelay $0x3  }
0x37: {  	[smem:$0x3FAB] =	sst s10  }
0x38: {  	s10 =	sld [smem:$0x3FAC]  }
0x39: {  	_ = 	snop;
	(pc) =	sbr.ind lr, $3  }
0x3a: {  	_ = 	snop  }
0x3b: {  	_ = 	snop  }
0x3c: {  	p2 =	seq.s32 s10, $0x1;
	s10 =	sld [smem:$0x3FAB]  }
0x3d: {  	_ =	shalt  }
0x3e: {  	_ =	shalt  }
0x3f: {  	_ =	shalt  }
0x40: {  	_ =	shalt  }
0x41: {  	_ =	shalt  }
0x42: {  	_ =	shalt  }
0x43: {  	_ =	shalt  }
0x44: {  	_ =	shalt  }
0x45: {  	_ =	shalt  }
0x46: {  	_ =	shalt  }
0x47: {  	_ =	shalt  }
0x48: {  	_ =	shalt  }
0x49: {  	_ =	shalt  }
0x4a: {  	_ =	shalt  }
0x4b: {  	_ =	shalt  }
0x4c: {  	_ =	shalt  }
0x4d: {  	_ =	shalt  }
0x4e: {  	_ =	shalt  }
0x4f: {  	_ =	shalt  }
0x50: {  	_ =	shalt  }
0x51: {  	_ =	shalt  }
0x52: {  	_ =	shalt  }
0x53: {  	_ =	shalt  }
0x54: {  	_ =	shalt  }
0x55: {  	_ =	shalt  }
0x56: {  	_ =	shalt  }
0x57: {  	_ =	shalt  }
0x58: {  	_ =	shalt  }
0x59: {  	_ =	shalt  }
0x5a: {  	_ =	shalt  }
0x5b: {  	_ =	shalt  }
0x5c: {  	_ =	shalt  }
0x5d: {  	_ =	shalt  }
0x5e: {  	_ =	shalt  }
0x5f: {  	_ =	shalt  }
0x60: {  	_ =	shalt  }
0x61: {  	_ =	shalt  }
0x62: {  	_ =	shalt  }
0x63: {  	_ =	shalt  }
0x64: {  	_ =	shalt  }
0x65: {  	_ =	shalt  }
0x66: {  	_ =	shalt  }
0x67: {  	_ =	shalt  }
0x68: {  	_ =	shalt  }
0x69: {  	_ =	shalt  }
0x6a: {  	_ =	shalt  }
0x6b: {  	_ =	shalt  }
0x6c: {  	_ =	shalt  }
0x6d: {  	_ =	shalt  }
0x6e: {  	_ =	shalt  }
0x6f: {  	_ =	shalt  }
0x70: {  	_ =	shalt  }
0x71: {  	_ =	shalt  }
0x72: {  	_ =	shalt  }
0x73: {  	_ =	shalt  }
0x74: {  	_ =	shalt  }
0x75: {  	_ =	shalt  }
0x76: {  	_ =	shalt  }
0x77: {  	_ =	shalt  }
0x78: {  	_ =	shalt  }
0x79: {  	_ =	shalt  }
0x7a: {  	_ =	shalt  }
0x7b: {  	_ =	shalt  }
0x7c: {  	_ =	shalt  }
0x7d: {  	_ =	shalt  }
0x7e: {  	_ =	shalt  }
0x7f: {  	_ =	shalt  }
0x80: {  	_ =	shalt  }
0x81: {  	_ =	shalt  }
0x82: {  	_ =	shalt  }
0x83: {  	_ =	shalt  }
0x84: {  	_ =	shalt  }
0x85: {  	_ =	shalt  }
0x86: {  	_ =	shalt  }
0x87: {  	_ =	shalt  }
.Lfunc_end0:
.L_simem_size_0:
called_computation.1_lowered:
.L_overlay_start_0:
0x88: {  	s2 =	sld [smem:$0x3FD9]  }
0x89: {  	s3 =	sld [smem:$0x3FFE];
	_ =	sdelay $0x1  }
0x8a: {  	s1 =	srdreg.scid  }
0x8b: {  	s0 =	sand.u32 $0x1, s1  }
0x8c: {  	s16 =	sshll.u32 s0, $0xA;
	s2 =	sadd.s32 s3, s2  }
0x8d: {  	s2 =	sadd.s32 s2, s16  }
0x8e: {  	[smem:$0x3FB7] =	sst s2  }
0x8f: {  	_ = 	snop  }
0x90: {  	(tm) =	ssettm $0x1  }
0x91: {  	s17 =	sld [smem:$0x3FFB];
	_ =	sdelay $0x3  }
0x92: {  	_ =	strace s17  }
0x93: {  	s2 =	sld [smem:$0x3FFC];
	_ =	sdelay $0x3  }
0x94: {  	_ =	strace s2  }
0x95: {  	s2 =	sld [smem:$0x3FFD];
	_ =	sdelay $0x3  }
0x96: {  	_ =	strace s2  }
0x97: {  	_ =	strace $0x8FFFFFFF  }
0x98: {  	s18 =	sld [smem:$0x3FDB];
	_ =	sdelay $0x1  }
0x99: {  	s19 =	simm.s32 $_scs_section_size  }
0x9a: {  	s4 =	simm.s32 $_size__tile_overlayer_lowered;
	s5 =	simm.s32 $_tile_overlayer_lowered  }
0x9b: {  	s22 =	simm.s32 $0x1BFF;
	s21 =	sshll.u32 s5, $0x1;
	s2 =	sadd.s32 s19, s18  }
0x9c: {  	s6 =	simm.s32 $0x0;
	s20 =	sshll.u32 s4, $0x1;
	s4 =	sadd.s32 s21, s2  }
0x9d: {  	[timem:s6], [sflag:s22] =	dma.local [hbm:s4], s20  }
0x9e: {  	_ =	swait.ge [sflag:s22], s20  }
0x9f: {  	s3 =	ssub.s32 $0x0, s20;
	[sflag:s22] =	ssyncset.done $0x0  }
0xa0: {  	[sflag:s22] =	ssyncadd.s32 s3;
	_ =	sdelay $0x1  }
0xa1: {  	s23 =	simm.s32 $0x1B8B  }
0xa2: {  	_ =	swait.ge [sflag:s23], $0x1  }
0xa3: {  	[sflag:s23] =	ssyncset.done $0x0  }
0xa4: {  	s25 =	simm.s32 $0x1B8E;
	s24 =	sld [smem:$0x3FFE];
	[sflag:s23] =	ssyncadd.s32 $0xFFFFFFFF  }
0xa5: {  	s26 =	simm.s32 $execute0_lowered;
	[smem:$0x3FD2] =	sst s25  }
0xa6: {  	s4 =	sshll.u32 s26, $0x1;
	_ =	strace $0x80000049;
	[dreg:$0x1] =	wrdreg $0xFFFFFFFF  }
0xa7: {  	s28 =	simm.s32 $_size_execute0_lowered;
	s2 =	sadd.s32 s2, s4;
	[dreg:$0x0] =	wrdreg $0x0  }
0xa8: {  	s4 =	sshll.u32 s28, $0x1;
	[dreg:$0x2] =	wrdreg s2  }
0xa9: {  	[dreg:$0x3] =	wrdreg s4  }
0xaa: {  	[dreg:$0x4] =	wrdreg $0xC0  }
0xab: {  	_ =	task [dreg:s6], $0x5FFFF  }
0xac: {  	[dreg:$0x1] =	wrdreg $0xFFFFFFFF  }
0xad: {  	[dreg:$0x0] =	wrdreg $0x60  }
0xae: {  	[dreg:$0x2] =	wrdreg s24  }
0xaf: {  	[dreg:$0x3] =	wrdreg $0x88000  }
0xb0: {  	[dreg:$0x4] =	wrdreg $0x9  }
0xb1: {  	_ =	task.clear_ibuf [dreg:s6], $0x5FFFF;
	_ =	strace $0x90000049  }
0xb2: {  	s29 =	simm.s32 $0x9;
	_ =	strace $0x8000004B  }
0xb3: {  	_ =	swait.ge [sflag:s29], $0x1  }
0xb4: {  	[sflag:s29] =	ssyncadd.s32 $0xFFFFFFFF  }
0xb5: {  	_ =	strace $0x9000004B  }
0xb6: {  	_ =	sfence  }
0xb7: {  	s30 =	sld [smem:$0x0];
	_ =	sdelay $0x2  }
0xb8: {  	s31 =	sshll.u32 s1, $0xD;
	s1 =	sshrl.u32 s1, $0x2  }
0xb9: {  	s3 =	sand.u32 $0x4000, s31;
	s1 =	sadd.s32 s1, s30  }
0xba: {  	s0 =	sor.u32 s3, s0;
	s1 =	sshll.u32 s1, $0x11  }
0xbb: {  	s0 =	sor.u32 s1, s0  }
0xbc: {  	s0 =	sadd.s32 $0x8F2B, s0  }
0xbd: {  	[sflag:s0] =	ssyncadd.remote.s32 $0x1  }
0xbe: {  	_ =	sfence.sel $0xFFFF  }
0xbf: {  	[dreg:$0x0] =	wrdreg $0xFFFFFFFF;
	(pc) =	sbr.abs _section_cstart, $3  }
0xc0: {  	[dreg:$0x1] =	wrdreg $0xFFFFFFFF  }
0xc1: {  	_ =	task.clear_ibuf [dreg:s6], $0x2FFFF;
	_ =	strace $0x9FFFFFFF  }
0xc2: {  	(tm) =	ssettm $0x7FFFFFFF  }
0xc3: {  	_ =	shalt  }
tec
execute0_lowered:
.L_overlay_start_1:
0x0: {  	(tag) =	ssettag $0x1  }
0x1: {  	s5 =	rddreg [dreg:$0x0]  }
0x2: {  	s2 =	rddreg [dreg:$0x1];
	s0 =	stileid.u32  }
0x3: {  	s3 =	simm.s32 $0x0;
	s30 =	srdreg.scid;
	s14 =	simm.s32 $0x80  }
0x4: {  	s15 =	simm.s32 $0x800;
	s16 =	simm.s32 $0x4800;
	s17 =	simm.s32 $0x1  }
0x5: {  	s18 =	simm.s32 $0x4;
	s19 =	simm.s32 $0x2;
	s20 =	simm.s32 $0x4  }
0x6: {  	s21 =	simm.s32 $0x780;
	s22 =	simm.s32 $0x0;
	s4 =	smul.u32 $0x2780, s0  }
0x7: {  	[smem:$0x7FF] =	sst s3;
	s11 =	sadd.s32 $0x8E600, s5;
	s7 =	sand.u32 $0x1, s30  }
0x8: {  	s8 =	smul.u32 $0x4F000, s0;
	s10 =	sadd.s32 $0x598600, s5;
	s31 =	sshll.u32 s0, $0x6  }
0x9: {  	_ =	strace $0x8000004A;
	s9 =	ssub.s32 $0x2, s7;
	p0 =	seq.s32 s7, $0x0  }
0xa: {  	s7 =	smul.u32 $0x50000, s0;
	s6 =	sadd.s32 s4, s5;
	s4 =	sadd.s32 $0x84600, s5  }
0xb: {  	s5 =	sadd.s32 $0x98600, s5;
	s12 =	sshrl.u32 s9, $0x1;
	s8 =	sshrl.u32 s8, $0x2  }
0xc: {  	s20 =	simm.s32 @!p0 $0x3;
	s12 =	ssub.s32 s9, s12;
	s13 =	sadd.s32 s8, s2  }
0xd: {  	s6 =	sadd.s32 $0x4C00, s6;
	s8 =	sor.u32 $0x1C03, s31;
	s9 =	smul.u32 $0xA0, s0  }
0xe: {  	s5 =	smov.u32 @p0 s10;
	s4 =	smov.u32 @p0 s11;
	s10 =	smax.u32 s12, $0x1  }
0xf: {  	s11 =	sadd.s32 s7, s5;
	s12 =	sshrl.u32 s13, $0x3;
	s13 =	simm.s32 $0x3  }
.LBB2_1:
0x10: {  	[spmem:s12], [sflag:s8] =	dma.local [hbm:s6], $0x2780  }
0x11: {  	_ =	swait.ge [sflag:s13], $0x2780  }
0x12: {  	[sflag:s13] =	ssyncset.done $0x0  }
0x13: {  	s23 =	smov.u32 s7;
	[sflag:s13] =	ssyncadd.s32 $0xFFFFD880  }
0x14: {  	s24 =	smov.u32 s11;
	s25 =	simm.s32 $0x0;
	[bflag:$0x0] =	sbarrier.arrive $0xFFFF  }
.LBB2_2:
0x15: {  	s26 =	sshll.u32 s25, $0x4  }
0x16: {  	s26 =	sadd.s32 s9, s26  }
0x17: {  	s28 =	sshll.u32 s26, $0x4  }
0x18: {  	s29 =	simm.s32 $0x0;
	s28 =	sadd.s32 s4, s28  }
0x19: {  	[tilespmem:s29], [sflag:$0x3] =	stream.linear.gather [hbm4b:s28+s29], $0x800, $0x38;
	[tilespmem:$0x1C400] =	vst v63  }
0x1a: {  	_ =	swait.ge [sflag:s13], $0x800  }
0x1b: {  	[sflag:s13] =	ssyncset.done $0x0  }
0x1c: {  	[sflag:s13] =	ssyncadd.s32 $0xFFFFF800  }
0x1d: {  	[tilespmem:s15], [sflag:$0x1] =	stream.indirect.gather [spmem:s2], $0x80, s29, s14, $0xb8;
	[tilespmem:$0x1C400] =	vst v63  }
0x1e: {  	s28 =	simm.s32 $0x80  }
0x1f: {  	[tilespmem:s16], [sflag:$0x2] =	stream.indirect.gather [spmem:s2], $0x80, s28, s14, $0xb8;
	[tilespmem:$0x1C400] =	vst v63  }
0x20: {  	_ =	swait.ge [sflag:s17], $0x4000  }
0x21: {  	[sflag:s17] =	ssyncset.done $0x0  }
0x22: {  	s28 =	sadd.s32 $0x0, s24;
	[sflag:s17] =	ssyncadd.s32 $0xFFFFC000  }
0x23: {  	[hbm4b:s28+s3] =	stream.linear.scatter [tilespmem:s15], [sflag:$0x4], $0x4000, $0x38;
	[tilespmem:$0x1C400] =	vst v63  }
0x24: {  	_ =	swait.ge [sflag:s18], $0x4000  }
0x25: {  	[sflag:s18] =	ssyncset.done $0x0  }
0x26: {  	s28 =	simm.s32 $0x100;
	[sflag:s18] =	ssyncadd.s32 $0xFFFFC000  }
0x27: {  	[tilespmem:s15], [sflag:$0x1] =	stream.indirect.gather [spmem:s2], $0x80, s28, s14, $0xb8;
	[tilespmem:$0x1C400] =	vst v63  }
0x28: {  	s28 =	sadd.s32 s5, s23;
	_ =	swait.ge [sflag:s19], $0x4000  }
0x29: {  	s29 =	sadd.s32 $0x0, s28;
	[sflag:s19] =	ssyncset.done $0x0  }
0x2a: {  	s29 =	sadd.s32 $0x800, s29;
	[sflag:s19] =	ssyncadd.s32 $0xFFFFC000  }
0x2b: {  	[hbm4b:s29+s3] =	stream.linear.scatter [tilespmem:s16], [sflag:s20], $0x4000, $0x38;
	[tilespmem:$0x1C400] =	vst v63  }
0x2c: {  	s31 =	simm.s32 $0x2000;
	_ =	swait.ge [sflag:s20], $0x4000  }
0x2d: {  	s30 =	simm.s32 $0x200;
	s29 =	simm.s32 $0x1000;
	[sflag:s20] =	ssyncset.done $0x0  }
.LBB2_3:
0x2e: {  	p0 =	sne.s32 s31, $0x6000;
	s0 =	sadd.s32 $0xFFFFFF80, s30;
	[sflag:s20] =	ssyncadd.s32 $0xFFFFC000  }
0x2f: {  	[tilespmem:s16], [sflag:$0x2] =	stream.indirect.gather [spmem:s2], $0x80, s0, s14, $0xb8;
	[tilespmem:$0x1C400] =	vst v63  }
0x30: {  	s0 =	smov.u32 s31;
	s31 =	sadd.s32 $0x1000, s31;
	_ =	swait.ge [sflag:s17], $0x4000  }
0x31: {  	[sflag:s17] =	ssyncset.done $0x0  }
0x32: {  	s1 =	sadd.s32 s29, s24;
	[sflag:s17] =	ssyncadd.s32 $0xFFFFC000  }
0x33: {  	[hbm4b:s1+s3] =	stream.linear.scatter [tilespmem:s15], [sflag:$0x4], $0x4000, $0x38;
	[tilespmem:$0x1C400] =	vst v63  }
0x34: {  	_ =	swait.ge [sflag:s18], $0x4000  }
0x35: {  	[sflag:s18] =	ssyncset.done $0x0  }
0x36: {  	[sflag:s18] =	ssyncadd.s32 $0xFFFFC000  }
0x37: {  	[tilespmem:s15], [sflag:$0x1] =	stream.indirect.gather [spmem:s2], $0x80, s30, s14, $0xb8;
	[tilespmem:$0x1C400] =	vst v63  }
0x38: {  	_ =	swait.ge [sflag:s19], $0x4000  }
.Ltmp0:
0x39: {  	s1 =	sadd.s32 s29, s28;
	[sflag:s19] =	ssyncset.done $0x0;
	(pc) =	sbr.rel @p0 .LBB2_3-.Ltmp0, $4  }
0x3a: {  	s29 =	smov.u32 s0;
	s1 =	sadd.s32 $0x800, s1;
	[sflag:s19] =	ssyncadd.s32 $0xFFFFC000  }
0x3b: {  	[hbm4b:s1+s3] =	stream.linear.scatter [tilespmem:s16], [sflag:s20], $0x4000, $0x38;
	[tilespmem:$0x1C400] =	vst v63  }
0x3c: {  	_ =	swait.ge [sflag:s20], $0x4000  }
0x3d: {  	s30 =	sadd.s32 $0x100, s30;
	[sflag:s20] =	ssyncset.done $0x0  }
0x3e: {  	s0 =	sadd.s32 $0xFFFFFF80, s30;
	[sflag:s20] =	ssyncadd.s32 $0xFFFFC000  }
0x3f: {  	[tilespmem:s16], [sflag:$0x2] =	stream.indirect.gather [spmem:s2], $0x80, s0, s14, $0xb8;
	[tilespmem:$0x1C400] =	vst v63  }
0x40: {  	_ =	swait.ge [sflag:s17], $0x4000  }
0x41: {  	[sflag:s17] =	ssyncset.done $0x0  }
0x42: {  	s1 =	sadd.s32 s29, s24;
	[sflag:s17] =	ssyncadd.s32 $0xFFFFC000  }
0x43: {  	[hbm4b:s1+s3] =	stream.linear.scatter [tilespmem:s15], [sflag:$0x4], $0x4000, $0x38;
	[tilespmem:$0x1C400] =	vst v63  }
0x44: {  	_ =	swait.ge [sflag:s18], $0x4000  }
0x45: {  	[sflag:s18] =	ssyncset.done $0x0  }
0x46: {  	[sflag:s18] =	ssyncadd.s32 $0xFFFFC000  }
0x47: {  	[tilespmem:s15], [sflag:$0x1] =	stream.indirect.gather [spmem:s2], $0x80, s30, s14, $0xb8;
	[tilespmem:$0x1C400] =	vst v63  }
0x48: {  	_ =	swait.ge [sflag:s19], $0x4000  }
0x49: {  	s30 =	sadd.s32 s29, s28;
	[sflag:s19] =	ssyncset.done $0x0  }
0x4a: {  	s0 =	sadd.s32 $0x800, s30;
	[sflag:s19] =	ssyncadd.s32 $0xFFFFC000  }
0x4b: {  	[hbm4b:s0+s3] =	stream.linear.scatter [tilespmem:s16], [sflag:s20], $0x4000, $0x38;
	[tilespmem:$0x1C400] =	vst v63  }
0x4c: {  	_ =	swait.ge [sflag:s20], $0x4000  }
0x4d: {  	[sflag:s20] =	ssyncset.done $0x0  }
0x4e: {  	[sflag:s20] =	ssyncadd.s32 $0xFFFFC000  }
0x4f: {  	[tilespmem:s16], [sflag:$0x2] =	stream.indirect.gather [spmem:s2], $0x80, s21, s14, $0xb8;
	[tilespmem:$0x1C400] =	vst v63  }
0x50: {  	s31 =	sshll.u32 s26, $0xB;
	_ =	swait.ge [sflag:s17], $0x4000  }
0x51: {  	s0 =	sadd.s32 s31, s5;
	[sflag:s17] =	ssyncset.done $0x0  }
0x52: {  	s1 =	sadd.s32 $0x7000, s0;
	[sflag:s17] =	ssyncadd.s32 $0xFFFFC000  }
0x53: {  	[hbm4b:s1+s3] =	stream.linear.scatter [tilespmem:s15], [sflag:$0x4], $0x4000, $0x38;
	[tilespmem:$0x1C400] =	vst v63  }
0x54: {  	_ =	swait.ge [sflag:s18], $0x4000  }
0x55: {  	[sflag:s18] =	ssyncset.done $0x0  }
0x56: {  	[sflag:s18] =	ssyncadd.s32 $0xFFFFC000  }
0x57: {  	s25 =	sadd.s32 $0x1, s25;
	_ =	swait.ge [sflag:s19], $0x4000  }
0x58: {  	p0 =	sne.s32 s25, $0xA;
	[sflag:s19] =	ssyncset.done $0x0  }
.Ltmp1:
0x59: {  	s0 =	sadd.s32 $0x7800, s0;
	[sflag:s19] =	ssyncadd.s32 $0xFFFFC000;
	(pc) =	sbr.rel @p0 .LBB2_2-.Ltmp1, $4  }
0x5a: {  	[hbm4b:s0+s3] =	stream.linear.scatter [tilespmem:s16], [sflag:s20], $0x4000, $0x38;
	[tilespmem:$0x1C400] =	vst v63  }
0x5b: {  	_ =	swait.ge [sflag:s20], $0x4000  }
0x5c: {  	[sflag:s20] =	ssyncset.done $0x0  }
0x5d: {  	s24 =	sadd.s32 $0x8000, s24;
	s23 =	sadd.s32 $0x8000, s23;
	[sflag:s20] =	ssyncadd.s32 $0xFFFFC000  }
0x5e: {  	s22 =	sadd.s32 $0x1, s22  }
0x5f: {  	p0 =	sne.s32 s22, s10  }
.Ltmp2:
0x60: {  	_ = 	snop;
	(pc) =	sbr.rel @p0 .LBB2_1-.Ltmp2, $1  }
0x61: {  	_ =	sdelay $0x3  }
0x62: {  	_ =	sfence.sel $0x180000  }
0x63: {  	[bflag:$0x0] =	sbarrier.arrive $0xFFFF  }
0x64: {  	_ =	strace $0x9000004A  }
0x65: {  	s0 =	stileid.u32;
	[bflag:$0x2] =	sbarrier.arrive $0xFFFF  }
0x66: {  	p0 =	sne.s32 s0, $0x0;
	s0 =	rddreg [dreg:$0x2]  }
0x67: {  	s0 =	sadd.s32 @!p0 $0x100000, s0  }
0x68: {  	[sflag:s0] =	ssyncadd.tile.s32 @!p0 $0x1;
	_ =	shalt  }
.Lfunc_end2:
_tile_overlayer_lowered:
.L_overlay_start_2:
0x69: {  	(tag) =	ssettag $0x2  }
0x6a: {  	s0 =	rddreg [dreg:$0x0];
	s2 =	stileid.u32  }
0x6b: {  	s1 =	rddreg [dreg:$0x1];
	p0 =	sne.s32 s2, $0x0  }
0x6c: {  	s3 =	rddreg [dreg:$0x2];
	[bflag:$0x3] =	sbarrier.arrive $0xFFFF;
	s2 =	simm.s32 @!p0 $0x1C03  }
0x6d: {  	[timem:s3], [sflag:s2] =	dma.local @!p0 [hbm:s0], s1  }
0x6e: {  	s0 =	simm.s32 @!p0 $0x3  }
0x6f: {  	_ =	swait.ge @!p0 [sflag:s0], s1  }
0x70: {  	s1 =	ssub.s32 @!p0 $0x0, s1;
	[sflag:s0] =	ssyncset.done @!p0 $0x0  }
0x71: {  	[sflag:s0] =	ssyncadd.s32 @!p0 s1  }
0x72: {  	[bflag:$0x3] =	sbarrier.arrive $0xFFFF  }
0x73: {  	_ =	shalt  }

// kernel: kernel.15.cloned.1.call-start
scs
__scs_entry_jumppad:
0x0: {  	(pc) =	sbr.rel $0x88, $3  }
0x1: {  	(tag) =	ssettag $0x0;
	lr =	simm.s32 $0x1  }
0x2: {  	[smem:$0x3F90] =	sst lr;
	_ =	strace $0xD0000000  }
0x3: {  	_ = 	snop  }
0x4: {  	_ = 	snop  }
0x5: {  	_ = 	snop  }
0x6: {  	_ = 	snop  }
0x7: {  	_ = 	snop  }
__scs_overlays_trampoline_lowered:
0x8: {  	[smem:$0x3F9F] =	sst s0  }
0x9: {  	[smem:$0x3FA0] =	sst s1  }
0xa: {  	[smem:$0x3FA1] =	sst s2  }
0xb: {  	[smem:$0x3FA2] =	sst s3  }
0xc: {  	[smem:$0x3FA3] =	sst s4  }
0xd: {  	[smem:$0x3FA4] =	sst s5  }
0xe: {  	[smem:$0x3FA5] =	sst s6  }
0xf: {  	[smem:$0x3FA6] =	sst s7  }
0x10: {  	[smem:$0x3FA7] =	sst s8  }
0x11: {  	[smem:$0x3FA8] =	sst s9;
	s0 =	simm.s32 @!p0 $0x0  }
0x12: {  	s1 =	sld [smem:$0x3F8E];
	s0 =	simm.s32 @p0 $0x1  }
0x13: {  	[smem:$0x3FA9] =	sst s0;
	s0 =	simm.s32 @!p1 $0x0  }
0x14: {  	s2 =	sld [smem:$0x3F8D];
	s0 =	simm.s32 @p1 $0x1  }
0x15: {  	[smem:$0x3FAA] =	sst s0;
	s0 =	simm.s32 @!p2 $0x0  }
0x16: {  	s3 =	sld [smem:$0x3FDB];
	s0 =	simm.s32 @p2 $0x1  }
0x17: {  	s4 =	simm.s32 $0x1BF5;
	[smem:$0x3FAC] =	sst s0  }
0x18: {  	s0 =	sld [smem:$0x3F8F];
	_ =	swait.ge [sflag:s4], $0x0  }
0x19: {  	s7 =	sld [smem:$0x3F90]  }
0x1a: {  	s8 =	sadd.s32 $0xFFFFE003, lr  }
0x1b: {  	s9 =	sadd.s32 $0xFFFFFEF7, lr;
	s5 =	simm.s32 $0xFFFFFFFF;
	p2 =	slt.u32 s8, $0xFFFFF086  }
0x1c: {  	p1 =	slt.u32 s9, $0xF7A;
	s5 =	simm.s32 @!p2 $0x0  }
0x1d: {  	s5 =	simm.s32 @p1 $0x1;
	p0 =	seq.s32 s7, s2  }
0x1e: {  	s7 =	smul.u32 @!p0 $0xF7A, s2;
	p2 =	seq.s32 @!p0 s5, $0x0  }
0x1f: {  	s9 =	smul.u32 $0xF7A, s1;
	s8 =	simm.s32 @!p0 $0x1BF5;
	p2 =	por !p2, p0  }
0x20: {  	[sflag:s8] =	ssyncset.s32 @!p0 $0xFFFFF086;
	s6 =	sadd.s32 @!p0 s3, s7;
	s7 =	simm.s32 @!p0 $0x108  }
0x21: {  	s3 =	sadd.s32 s3, s9;
	s6 =	sadd.s32 @!p0 $0x88, s6;
	s7 =	simm.s32 @p2 $0x1082  }
0x22: {  	[simem:s7], [sflag:s8] =	dma.local @!p0 [hbm:s6], $0xF7A  }
0x23: {  	s9 =	sor.u32 $0xD0000000, s2;
	s6 =	simm.s32 $0x108;
	_ =	swait.ge @!p0 [sflag:s8], $0x0  }
0x24: {  	s3 =	sadd.s32 $0x88, s3;
	s6 =	simm.s32 @!p1 $0x1082;
	[sflag:s4] =	ssyncset.s32 $0xFFFFF086  }
0x25: {  	[simem:s6], [sflag:s4] =	dma.local [hbm:s3], $0xF7A  }
0x26: {  	[smem:$0x3F90] =	sst s1;
	(tag) =	ssettag s2;
	_ =	strace s9  }
0x27: {  	s1 =	sld [smem:$0x3FA0]  }
0x28: {  	s2 =	sld [smem:$0x3FA1]  }
0x29: {  	s4 =	sld [smem:$0x3FA3]  }
0x2a: {  	p0 =	seq.s32 s5, $0x0;
	s5 =	sld [smem:$0x3FA4]  }
0x2b: {  	s6 =	sld [smem:$0x3FA5]  }
0x2c: {  	s7 =	sld [smem:$0x3FA6]  }
0x2d: {  	s3 =	simm.s32 $0x108;
	s8 =	sld [smem:$0x3FA7]  }
0x2e: {  	s3 =	simm.s32 @!p0 $0x1082;
	s9 =	sld [smem:$0x3FA8]  }
0x2f: {  	lr =	sadd.s32 s0, s3;
	s0 =	sld [smem:$0x3F9F]  }
0x30: {  	s3 =	sld [smem:$0x3FA2]  }
0x31: {  	[smem:$0x3FAB] =	sst s10  }
0x32: {  	s10 =	sld [smem:$0x3FA9];
	_ =	sdelay $0x3  }
0x33: {  	p0 =	seq.s32 s10, $0x1;
	s10 =	sld [smem:$0x3FAB];
	_ =	sdelay $0x3  }
0x34: {  	[smem:$0x3FAB] =	sst s10  }
0x35: {  	s10 =	sld [smem:$0x3FAA];
	_ =	sdelay $0x3  }
0x36: {  	p1 =	seq.s32 s10, $0x1;
	s10 =	sld [smem:$0x3FAB];
	_ =	sdelay $0x3  }
0x37: {  	[smem:$0x3FAB] =	sst s10  }
0x38: {  	s10 =	sld [smem:$0x3FAC]  }
0x39: {  	_ = 	snop;
	(pc) =	sbr.ind lr, $3  }
0x3a: {  	_ = 	snop  }
0x3b: {  	_ = 	snop  }
0x3c: {  	p2 =	seq.s32 s10, $0x1;
	s10 =	sld [smem:$0x3FAB]  }
0x3d: {  	_ =	shalt  }
0x3e: {  	_ =	shalt  }
0x3f: {  	_ =	shalt  }
0x40: {  	_ =	shalt  }
0x41: {  	_ =	shalt  }
0x42: {  	_ =	shalt  }
0x43: {  	_ =	shalt  }
0x44: {  	_ =	shalt  }
0x45: {  	_ =	shalt  }
0x46: {  	_ =	shalt  }
0x47: {  	_ =	shalt  }
0x48: {  	_ =	shalt  }
0x49: {  	_ =	shalt  }
0x4a: {  	_ =	shalt  }
0x4b: {  	_ =	shalt  }
0x4c: {  	_ =	shalt  }
0x4d: {  	_ =	shalt  }
0x4e: {  	_ =	shalt  }
0x4f: {  	_ =	shalt  }
0x50: {  	_ =	shalt  }
0x51: {  	_ =	shalt  }
0x52: {  	_ =	shalt  }
0x53: {  	_ =	shalt  }
0x54: {  	_ =	shalt  }
0x55: {  	_ =	shalt  }
0x56: {  	_ =	shalt  }
0x57: {  	_ =	shalt  }
0x58: {  	_ =	shalt  }
0x59: {  	_ =	shalt  }
0x5a: {  	_ =	shalt  }
0x5b: {  	_ =	shalt  }
0x5c: {  	_ =	shalt  }
0x5d: {  	_ =	shalt  }
0x5e: {  	_ =	shalt  }
0x5f: {  	_ =	shalt  }
0x60: {  	_ =	shalt  }
0x61: {  	_ =	shalt  }
0x62: {  	_ =	shalt  }
0x63: {  	_ =	shalt  }
0x64: {  	_ =	shalt  }
0x65: {  	_ =	shalt  }
0x66: {  	_ =	shalt  }
0x67: {  	_ =	shalt  }
0x68: {  	_ =	shalt  }
0x69: {  	_ =	shalt  }
0x6a: {  	_ =	shalt  }
0x6b: {  	_ =	shalt  }
0x6c: {  	_ =	shalt  }
0x6d: {  	_ =	shalt  }
0x6e: {  	_ =	shalt  }
0x6f: {  	_ =	shalt  }
0x70: {  	_ =	shalt  }
0x71: {  	_ =	shalt  }
0x72: {  	_ =	shalt  }
0x73: {  	_ =	shalt  }
0x74: {  	_ =	shalt  }
0x75: {  	_ =	shalt  }
0x76: {  	_ =	shalt  }
0x77: {  	_ =	shalt  }
0x78: {  	_ =	shalt  }
0x79: {  	_ =	shalt  }
0x7a: {  	_ =	shalt  }
0x7b: {  	_ =	shalt  }
0x7c: {  	_ =	shalt  }
0x7d: {  	_ =	shalt  }
0x7e: {  	_ =	shalt  }
0x7f: {  	_ =	shalt  }
0x80: {  	_ =	shalt  }
0x81: {  	_ =	shalt  }
0x82: {  	_ =	shalt  }
0x83: {  	_ =	shalt  }
0x84: {  	_ =	shalt  }
0x85: {  	_ =	shalt  }
0x86: {  	_ =	shalt  }
0x87: {  	_ =	shalt  }
.Lfunc_end0:
.L_simem_size_0:
called_computation.2_lowered:
.L_overlay_start_0:
0x88: {  	s2 =	sld [smem:$0x3FD9]  }
0x89: {  	s3 =	sld [smem:$0x3FFE];
	_ =	sdelay $0x1  }
0x8a: {  	s1 =	srdreg.scid  }
0x8b: {  	s0 =	sand.u32 $0x1, s1  }
0x8c: {  	s14 =	sshll.u32 s0, $0xA;
	s2 =	sadd.s32 s3, s2  }
0x8d: {  	s2 =	sadd.s32 s2, s14  }
0x8e: {  	[smem:$0x3FB7] =	sst s2  }
0x8f: {  	_ = 	snop  }
0x90: {  	s2 =	sld [smem:$0x3FD0];
	_ =	sdelay $0x2  }
0x91: {  	s15 =	simm.s32 $0xA;
	s4 =	simm.s32 $0x10  }
0x92: {  	[smem:s4], [sflag:s15] =	dma.local [hbm:s2], $0x1  }
0x93: {  	_ =	swait.eq [sflag:s15], $0x1  }
0x94: {  	[sflag:s15] =	ssyncset.done $0x0  }
0x95: {  	[sflag:s15] =	ssyncadd.s32 $0xFFFFFFFF  }
0x96: {  	s16 =	sld [smem:$0x10];
	(tm) =	ssettm $0x1  }
0x97: {  	s17 =	sld [smem:$0x3FFB];
	_ =	sdelay $0x3  }
0x98: {  	_ =	strace s17  }
0x99: {  	s3 =	sld [smem:$0x3FFC];
	_ =	sdelay $0x3  }
0x9a: {  	_ =	strace s3  }
0x9b: {  	s3 =	sld [smem:$0x3FFD];
	_ =	sdelay $0x3  }
0x9c: {  	_ =	strace s3  }
0x9d: {  	_ =	strace $0x8FFFFFFF  }
0x9e: {  	s18 =	sld [smem:$0x3FDB];
	_ =	sdelay $0x1  }
0x9f: {  	s19 =	simm.s32 $_scs_section_size  }
0xa0: {  	s5 =	simm.s32 $_size__tile_overlayer_lowered;
	s6 =	simm.s32 $_tile_overlayer_lowered  }
0xa1: {  	s22 =	simm.s32 $0x1BFF;
	s21 =	sshll.u32 s6, $0x1;
	s3 =	sadd.s32 s19, s18  }
0xa2: {  	s7 =	simm.s32 $0x0;
	s20 =	sshll.u32 s5, $0x1;
	s5 =	sadd.s32 s21, s3  }
0xa3: {  	[timem:s7], [sflag:s22] =	dma.local [hbm:s5], s20  }
0xa4: {  	_ =	swait.ge [sflag:s22], s20  }
0xa5: {  	s4 =	ssub.s32 $0x0, s20;
	[sflag:s22] =	ssyncset.done $0x0  }
0xa6: {  	[sflag:s22] =	ssyncadd.s32 s4;
	_ =	sdelay $0x1  }
0xa7: {  	s23 =	simm.s32 $0x1B8B  }
0xa8: {  	_ =	swait.ge [sflag:s23], $0x1  }
0xa9: {  	[sflag:s23] =	ssyncset.done $0x0  }
0xaa: {  	s25 =	simm.s32 $0x1B8E;
	s24 =	sld [smem:$0x3FFE];
	[sflag:s23] =	ssyncadd.s32 $0xFFFFFFFF  }
0xab: {  	s26 =	simm.s32 $execute0_lowered;
	[smem:$0x3FD2] =	sst s25  }
0xac: {  	s5 =	sshll.u32 s26, $0x1;
	_ =	strace $0x8000004C;
	[dreg:$0x1] =	wrdreg $0xFFFFFFFF  }
0xad: {  	s28 =	simm.s32 $_size_execute0_lowered;
	s3 =	sadd.s32 s3, s5;
	[dreg:$0x0] =	wrdreg $0x0  }
0xae: {  	s5 =	sshll.u32 s28, $0x1;
	[dreg:$0x2] =	wrdreg s3  }
0xaf: {  	[dreg:$0x3] =	wrdreg s5  }
0xb0: {  	[dreg:$0x4] =	wrdreg $0xC0  }
0xb1: {  	_ =	task [dreg:s7], $0x5FFFF  }
0xb2: {  	[dreg:$0x1] =	wrdreg $0xFFFFFFFF  }
0xb3: {  	[dreg:$0x0] =	wrdreg $0x60  }
0xb4: {  	[dreg:$0x2] =	wrdreg s24  }
0xb5: {  	[dreg:$0x3] =	wrdreg s16  }
0xb6: {  	[dreg:$0x4] =	wrdreg $0x88000  }
0xb7: {  	[dreg:$0x5] =	wrdreg $0x9  }
0xb8: {  	_ =	task.clear_ibuf [dreg:s7], $0x6FFFF;
	_ =	strace $0x9000004C  }
0xb9: {  	s29 =	simm.s32 $0x9;
	_ =	strace $0x8000004E  }
0xba: {  	_ =	swait.ge [sflag:s29], $0x1  }
0xbb: {  	[sflag:s29] =	ssyncadd.s32 $0xFFFFFFFF  }
0xbc: {  	_ =	strace $0x9000004E  }
0xbd: {  	_ =	sfence  }
0xbe: {  	s30 =	sld [smem:$0x0];
	_ =	sdelay $0x2  }
0xbf: {  	s31 =	sshll.u32 s1, $0xD;
	s1 =	sshrl.u32 s1, $0x2  }
0xc0: {  	s3 =	sand.u32 $0x4000, s31;
	s1 =	sadd.s32 s1, s30  }
0xc1: {  	s0 =	sor.u32 s3, s0;
	s1 =	sshll.u32 s1, $0x11  }
0xc2: {  	s0 =	sor.u32 s1, s0  }
0xc3: {  	s0 =	sadd.s32 $0x8F2B, s0  }
0xc4: {  	[sflag:s0] =	ssyncadd.remote.s32 $0x1  }
0xc5: {  	_ =	sfence.sel $0xFFFF  }
0xc6: {  	[dreg:$0x0] =	wrdreg $0xFFFFFFFF;
	(pc) =	sbr.abs _section_cstart, $3  }
0xc7: {  	[dreg:$0x1] =	wrdreg $0xFFFFFFFF  }
0xc8: {  	_ =	task.clear_ibuf [dreg:s7], $0x2FFFF;
	_ =	strace $0x9FFFFFFF  }
0xc9: {  	(tm) =	ssettm $0x7FFFFFFF  }
tec
execute0_lowered:
.L_overlay_start_1:
0x0: {  	(tag) =	ssettag $0x1  }
0x1: {  	s6 =	rddreg [dreg:$0x0]  }
0x2: {  	s2 =	rddreg [dreg:$0x1]  }
0x3: {  	s3 =	rddreg [dreg:$0x2]  }
0x4: {  	s0 =	stileid.u32;
	s5 =	srdreg.scid;
	s4 =	simm.s32 $0x0  }
0x5: {  	s16 =	simm.s32 $0x4800;
	s17 =	simm.s32 $0x1;
	s18 =	simm.s32 $0x80  }
0x6: {  	s19 =	simm.s32 $0x2;
	s20 =	simm.s32 $0x700;
	s7 =	smul.u32 $0x13C00, s0  }
0x7: {  	s21 =	simm.s32 $0x780;
	s22 =	simm.s32 $0x0;
	s11 =	smul.u32 $0x4F000, s0  }
0x8: {  	s8 =	sand.u32 $0x1, s5;
	[smem:$0x7FF] =	sst s4;
	s13 =	smul.u32 $0x50, s0  }
0x9: {  	s5 =	sadd.s32 $0xD09600, s6;
	s28 =	sshll.u32 s0, $0x6;
	s9 =	smul.u32 $0x13C000, s8  }
0xa: {  	_ =	strace $0x8000004D;
	s24 =	ssub.s32 $0x2, s8;
	s26 =	smul.u32 $0x500, s8  }
0xb: {  	s8 =	sshll.u32 s8, $0x4;
	s10 =	sshrl.u32 s7, $0x3;
	s25 =	sshrl.u32 s24, $0x1  }
0xc: {  	s11 =	sshrl.u32 s11, $0x2;
	s8 =	sor.u32 s0, s8;
	s10 =	sadd.s32 s10, s6  }
0xd: {  	s7 =	sadd.s32 s7, s9;
	s14 =	ssub.s32 s24, s25;
	s15 =	sadd.s32 s11, s3  }
0xe: {  	s29 =	sadd.s32 s13, s26;
	s8 =	smul.u32 $0x50, s8;
	s7 =	sshrl.u32 s7, $0x3  }
0xf: {  	s30 =	sshll.u32 s29, $0xB;
	s13 =	sshrl.u32 s15, $0x3;
	s15 =	simm.s32 $0x800  }
0x10: {  	s12 =	sadd.s32 s7, s6;
	s6 =	sadd.s32 $0x5CE00, s10;
	s7 =	sor.u32 $0x1C03, s28  }
0x11: {  	s10 =	smax.u32 s14, $0x1;
	s31 =	sadd.s32 s30, s5;
	s14 =	simm.s32 $0x3  }
0x12: {  	s9 =	sadd.s32 $0x1209600, s12;
	s11 =	sadd.s32 $0x1000, s31;
	s12 =	sadd.s32 $0x800, s31  }
.LBB2_1:
0x13: {  	[spmem:s13], [sflag:s7] =	dma.local [hbm:s6], $0x2780  }
0x14: {  	_ =	swait.ge [sflag:s14], $0x2780  }
0x15: {  	[sflag:s14] =	ssyncset.done $0x0  }
0x16: {  	s23 =	smov.u32 s12;
	[sflag:s14] =	ssyncadd.s32 $0xFFFFD880  }
0x17: {  	s24 =	smov.u32 s11;
	s25 =	simm.s32 $0x0;
	[bflag:$0x0] =	sbarrier.arrive $0xFFFF  }
.LBB2_2:
0x18: {  	s26 =	sshll.u32 s25, $0x4  }
0x19: {  	s26 =	sadd.s32 s8, s26  }
0x1a: {  	s28 =	sshll.u32 s26, $0x4  }
0x1b: {  	s29 =	simm.s32 $0x0;
	s28 =	sadd.s32 s2, s28  }
0x1c: {  	[tilespmem:s29], [sflag:$0x3] =	stream.linear.gather [hbm4b:s28+s29], $0x800, $0x38;
	[tilespmem:$0x1C400] =	vst v63  }
0x1d: {  	_ =	swait.ge [sflag:s14], $0x800  }
0x1e: {  	s26 =	sshll.u32 s26, $0xB;
	[sflag:s14] =	ssyncset.done $0x0  }
0x1f: {  	s28 =	sadd.s32 s5, s26;
	[sflag:s14] =	ssyncadd.s32 $0xFFFFF800  }
0x20: {  	[tilespmem:s15], [sflag:$0x1] =	stream.linear.gather [hbm4b:s28+s29], $0x4000, $0x38;
	[tilespmem:$0x1C400] =	vst v63  }
0x21: {  	s28 =	sadd.s32 $0x0, s23  }
0x22: {  	[tilespmem:s16], [sflag:$0x2] =	stream.linear.gather [hbm4b:s28+s4], $0x4000, $0x38;
	[tilespmem:$0x1C400] =	vst v63  }
0x23: {  	_ =	swait.ge [sflag:s17], $0x4000  }
0x24: {  	[sflag:s17] =	ssyncset.done $0x0  }
0x25: {  	[sflag:s17] =	ssyncadd.s32 $0xFFFFC000  }
0x26: {  	[spmem:s3] =	stream.indirect.scatter.add.f32 [tilespmem:s15], [sflag:$0x3], $0x80, s29, s18, $0xb8;
	[tilespmem:$0x1C400] =	vst v63  }
0x27: {  	_ =	swait.ge [sflag:s14], $0x4000  }
0x28: {  	[sflag:s14] =	ssyncset.done $0x0  }
0x29: {  	s28 =	sadd.s32 $0x0, s24;
	[sflag:s14] =	ssyncadd.s32 $0xFFFFC000  }
0x2a: {  	[tilespmem:s15], [sflag:$0x1] =	stream.linear.gather [hbm4b:s28+s4], $0x4000, $0x38;
	[tilespmem:$0x1C400] =	vst v63  }
0x2b: {  	_ =	swait.ge [sflag:s19], $0x4000  }
0x2c: {  	[sflag:s19] =	ssyncset.done $0x0  }
0x2d: {  	s28 =	simm.s32 $0x80;
	[sflag:s19] =	ssyncadd.s32 $0xFFFFC000  }
0x2e: {  	[spmem:s3] =	stream.indirect.scatter.add.f32 [tilespmem:s16], [sflag:$0x3], $0x80, s28, s18, $0xb8;
	[tilespmem:$0x1C400] =	vst v63  }
0x2f: {  	s30 =	simm.s32 $0x2000;
	_ =	swait.ge [sflag:s14], $0x4000  }
0x30: {  	s29 =	simm.s32 $0x1000;
	s28 =	simm.s32 $0x100;
	[sflag:s14] =	ssyncset.done $0x0  }
.LBB2_3:
0x31: {  	s31 =	sadd.s32 s29, s23  }
0x32: {  	[sflag:s14] =	ssyncadd.s32 $0xFFFFC000;
	s0 =	smov.u32 s30;
	s1 =	sadd.s32 $0x1000, s30  }
0x33: {  	[tilespmem:s16], [sflag:$0x2] =	stream.linear.gather [hbm4b:s31+s4], $0x4000, $0x38;
	[tilespmem:$0x1C400] =	vst v63  }
0x34: {  	p0 =	sne.s32 s30, $0x6000;
	_ =	swait.ge [sflag:s17], $0x4000  }
0x35: {  	[sflag:s17] =	ssyncset.done $0x0  }
0x36: {  	[sflag:s17] =	ssyncadd.s32 $0xFFFFC000  }
0x37: {  	[spmem:s3] =	stream.indirect.scatter.add.f32 [tilespmem:s15], [sflag:$0x3], $0x80, s28, s18, $0xb8;
	[tilespmem:$0x1C400] =	vst v63  }
0x38: {  	_ =	swait.ge [sflag:s14], $0x4000  }
0x39: {  	[sflag:s14] =	ssyncset.done $0x0  }
0x3a: {  	s30 =	sadd.s32 s29, s24;
	s29 =	smov.u32 s0;
	[sflag:s14] =	ssyncadd.s32 $0xFFFFC000  }
0x3b: {  	[tilespmem:s15], [sflag:$0x1] =	stream.linear.gather [hbm4b:s30+s4], $0x4000, $0x38;
	[tilespmem:$0x1C400] =	vst v63  }
0x3c: {  	_ =	swait.ge [sflag:s19], $0x4000  }
.Ltmp0:
0x3d: {  	[sflag:s19] =	ssyncset.done $0x0;
	(pc) =	sbr.rel @p0 .LBB2_3-.Ltmp0, $4  }
0x3e: {  	s0 =	sadd.s32 $0x80, s28;
	[sflag:s19] =	ssyncadd.s32 $0xFFFFC000  }
0x3f: {  	[spmem:s3] =	stream.indirect.scatter.add.f32 [tilespmem:s16], [sflag:$0x3], $0x80, s0, s18, $0xb8;
	[tilespmem:$0x1C400] =	vst v63  }
0x40: {  	_ =	swait.ge [sflag:s14], $0x4000  }
0x41: {  	s28 =	sadd.s32 $0x100, s28;
	s30 =	smov.u32 s1;
	[sflag:s14] =	ssyncset.done $0x0  }
0x42: {  	s0 =	sadd.s32 s29, s23;
	[sflag:s14] =	ssyncadd.s32 $0xFFFFC000  }
0x43: {  	[tilespmem:s16], [sflag:$0x2] =	stream.linear.gather [hbm4b:s0+s4], $0x4000, $0x38;
	[tilespmem:$0x1C400] =	vst v63  }
0x44: {  	_ =	swait.ge [sflag:s17], $0x4000  }
0x45: {  	[sflag:s17] =	ssyncset.done $0x0  }
0x46: {  	[sflag:s17] =	ssyncadd.s32 $0xFFFFC000  }
0x47: {  	[spmem:s3] =	stream.indirect.scatter.add.f32 [tilespmem:s15], [sflag:$0x3], $0x80, s28, s18, $0xb8;
	[tilespmem:$0x1C400] =	vst v63  }
0x48: {  	_ =	swait.ge [sflag:s14], $0x4000  }
0x49: {  	[sflag:s14] =	ssyncset.done $0x0  }
0x4a: {  	s29 =	sadd.s32 s29, s24;
	[sflag:s14] =	ssyncadd.s32 $0xFFFFC000  }
0x4b: {  	[tilespmem:s15], [sflag:$0x1] =	stream.linear.gather [hbm4b:s29+s4], $0x4000, $0x38;
	[tilespmem:$0x1C400] =	vst v63  }
0x4c: {  	_ =	swait.ge [sflag:s19], $0x4000  }
0x4d: {  	[sflag:s19] =	ssyncset.done $0x0  }
0x4e: {  	s30 =	sadd.s32 $0x80, s28;
	[sflag:s19] =	ssyncadd.s32 $0xFFFFC000  }
0x4f: {  	[spmem:s3] =	stream.indirect.scatter.add.f32 [tilespmem:s16], [sflag:$0x3], $0x80, s30, s18, $0xb8;
	[tilespmem:$0x1C400] =	vst v63  }
0x50: {  	s31 =	sand.u32 $0x1FFF8000, s26;
	_ =	swait.ge [sflag:s14], $0x4000  }
0x51: {  	s0 =	sadd.s32 s31, s5;
	[sflag:s14] =	ssyncset.done $0x0  }
0x52: {  	s0 =	sadd.s32 $0x7800, s0;
	[sflag:s14] =	ssyncadd.s32 $0xFFFFC000  }
0x53: {  	[tilespmem:s16], [sflag:$0x2] =	stream.linear.gather [hbm4b:s0+s4], $0x4000, $0x38;
	[tilespmem:$0x1C400] =	vst v63  }
0x54: {  	_ =	swait.ge [sflag:s17], $0x4000  }
0x55: {  	[sflag:s17] =	ssyncset.done $0x0  }
0x56: {  	[sflag:s17] =	ssyncadd.s32 $0xFFFFC000  }
0x57: {  	[spmem:s3] =	stream.indirect.scatter.add.f32 [tilespmem:s15], [sflag:$0x3], $0x80, s20, s18, $0xb8;
	[tilespmem:$0x1C400] =	vst v63  }
0x58: {  	_ =	swait.ge [sflag:s14], $0x4000  }
0x59: {  	[sflag:s14] =	ssyncset.done $0x0  }
0x5a: {  	[sflag:s14] =	ssyncadd.s32 $0xFFFFC000  }
0x5b: {  	s25 =	sadd.s32 $0x1, s25;
	_ =	swait.ge [sflag:s19], $0x4000  }
0x5c: {  	p0 =	sne.s32 s25, $0x5;
	[sflag:s19] =	ssyncset.done $0x0  }
.Ltmp1:
0x5d: {  	[sflag:s19] =	ssyncadd.s32 $0xFFFFC000;
	(pc) =	sbr.rel @p0 .LBB2_2-.Ltmp1, $4  }
0x5e: {  	[spmem:s3] =	stream.indirect.scatter.add.f32 [tilespmem:s16], [sflag:$0x3], $0x80, s21, s18, $0xb8;
	[tilespmem:$0x1C400] =	vst v63  }
0x5f: {  	_ =	swait.ge [sflag:s14], $0x4000  }
0x60: {  	[sflag:s14] =	ssyncset.done $0x0  }
0x61: {  	s24 =	sadd.s32 $0x8000, s24;
	s23 =	sadd.s32 $0x8000, s23;
	[sflag:s14] =	ssyncadd.s32 $0xFFFFC000  }
0x62: {  	s22 =	sadd.s32 $0x1, s22  }
0x63: {  	p0 =	sne.s32 s22, s10  }
.Ltmp2:
0x64: {  	[bflag:$0x0] =	sbarrier.arrive $0xFFFF;
	(pc) =	sbr.rel @p0 .LBB2_1-.Ltmp2, $4  }
0x65: {  	[hbm:s9], [sflag:s7] =	dma.local [spmem:s13], $0x2780  }
0x66: {  	_ =	swait.ge [sflag:s14], $0x2780  }
0x67: {  	[sflag:s14] =	ssyncset.done $0x0  }
0x68: {  	[sflag:s14] =	ssyncadd.s32 $0xFFFFD880  }
0x69: {  	_ =	sfence.sel $0x180000  }
0x6a: {  	[bflag:$0x0] =	sbarrier.arrive $0xFFFF  }
0x6b: {  	_ =	strace $0x9000004D  }
0x6c: {  	s0 =	stileid.u32;
	[bflag:$0x2] =	sbarrier.arrive $0xFFFF  }
0x6d: {  	p0 =	sne.s32 s0, $0x0;
	s0 =	rddreg [dreg:$0x3]  }
0x6e: {  	s0 =	sadd.s32 @!p0 $0x100000, s0  }
0x6f: {  	[sflag:s0] =	ssyncadd.tile.s32 @!p0 $0x1;
	_ =	shalt  }
.Lfunc_end2:
_tile_overlayer_lowered:
.L_overlay_start_2:
0x70: {  	(tag) =	ssettag $0x2  }
0x71: {  	s0 =	rddreg [dreg:$0x0];
	s2 =	stileid.u32  }
0x72: {  	s1 =	rddreg [dreg:$0x1];
	p0 =	sne.s32 s2, $0x0  }
0x73: {  	s3 =	rddreg [dreg:$0x2];
	[bflag:$0x3] =	sbarrier.arrive $0xFFFF;
	s2 =	simm.s32 @!p0 $0x1C03  }
0x74: {  	[timem:s3], [sflag:s2] =	dma.local @!p0 [hbm:s0], s1  }
0x75: {  	s0 =	simm.s32 @!p0 $0x3  }
0x76: {  	_ =	swait.ge @!p0 [sflag:s0], s1  }
0x77: {  	s1 =	ssub.s32 @!p0 $0x0, s1;
	[sflag:s0] =	ssyncset.done @!p0 $0x0  }
0x78: {  	[sflag:s0] =	ssyncadd.s32 @!p0 s1  }
0x79: {  	[bflag:$0x3] =	sbarrier.arrive $0xFFFF  }
0x7a: {  	_ =	shalt  }

// kernel: kernel.9.cloned.1.call-start
scs
__scs_entry_jumppad:
0x0: {  	(pc) =	sbr.rel $0x88, $3  }
0x1: {  	(tag) =	ssettag $0x0;
	lr =	simm.s32 $0x1  }
0x2: {  	[smem:$0x3F90] =	sst lr;
	_ =	strace $0xD0000000  }
0x3: {  	_ = 	snop  }
0x4: {  	_ = 	snop  }
0x5: {  	_ = 	snop  }
0x6: {  	_ = 	snop  }
0x7: {  	_ = 	snop  }
__scs_overlays_trampoline_lowered:
0x8: {  	[smem:$0x3F9F] =	sst s0  }
0x9: {  	[smem:$0x3FA0] =	sst s1  }
0xa: {  	[smem:$0x3FA1] =	sst s2  }
0xb: {  	[smem:$0x3FA2] =	sst s3  }
0xc: {  	[smem:$0x3FA3] =	sst s4  }
0xd: {  	[smem:$0x3FA4] =	sst s5  }
0xe: {  	[smem:$0x3FA5] =	sst s6  }
0xf: {  	[smem:$0x3FA6] =	sst s7  }
0x10: {  	[smem:$0x3FA7] =	sst s8  }
0x11: {  	[smem:$0x3FA8] =	sst s9;
	s0 =	simm.s32 @!p0 $0x0  }
0x12: {  	s1 =	sld [smem:$0x3F8E];
	s0 =	simm.s32 @p0 $0x1  }
0x13: {  	[smem:$0x3FA9] =	sst s0;
	s0 =	simm.s32 @!p1 $0x0  }
0x14: {  	s2 =	sld [smem:$0x3F8D];
	s0 =	simm.s32 @p1 $0x1  }
0x15: {  	[smem:$0x3FAA] =	sst s0;
	s0 =	simm.s32 @!p2 $0x0  }
0x16: {  	s3 =	sld [smem:$0x3FDB];
	s0 =	simm.s32 @p2 $0x1  }
0x17: {  	s4 =	simm.s32 $0x1BF5;
	[smem:$0x3FAC] =	sst s0  }
0x18: {  	s0 =	sld [smem:$0x3F8F];
	_ =	swait.ge [sflag:s4], $0x0  }
0x19: {  	s7 =	sld [smem:$0x3F90]  }
0x1a: {  	s8 =	sadd.s32 $0xFFFFE003, lr  }
0x1b: {  	s9 =	sadd.s32 $0xFFFFFEF7, lr;
	s5 =	simm.s32 $0xFFFFFFFF;
	p2 =	slt.u32 s8, $0xFFFFF086  }
0x1c: {  	p1 =	slt.u32 s9, $0xF7A;
	s5 =	simm.s32 @!p2 $0x0  }
0x1d: {  	s5 =	simm.s32 @p1 $0x1;
	p0 =	seq.s32 s7, s2  }
0x1e: {  	s7 =	smul.u32 @!p0 $0xF7A, s2;
	p2 =	seq.s32 @!p0 s5, $0x0  }
0x1f: {  	s9 =	smul.u32 $0xF7A, s1;
	s8 =	simm.s32 @!p0 $0x1BF5;
	p2 =	por !p2, p0  }
0x20: {  	[sflag:s8] =	ssyncset.s32 @!p0 $0xFFFFF086;
	s6 =	sadd.s32 @!p0 s3, s7;
	s7 =	simm.s32 @!p0 $0x108  }
0x21: {  	s3 =	sadd.s32 s3, s9;
	s6 =	sadd.s32 @!p0 $0x88, s6;
	s7 =	simm.s32 @p2 $0x1082  }
0x22: {  	[simem:s7], [sflag:s8] =	dma.local @!p0 [hbm:s6], $0xF7A  }
0x23: {  	s9 =	sor.u32 $0xD0000000, s2;
	s6 =	simm.s32 $0x108;
	_ =	swait.ge @!p0 [sflag:s8], $0x0  }
0x24: {  	s3 =	sadd.s32 $0x88, s3;
	s6 =	simm.s32 @!p1 $0x1082;
	[sflag:s4] =	ssyncset.s32 $0xFFFFF086  }
0x25: {  	[simem:s6], [sflag:s4] =	dma.local [hbm:s3], $0xF7A  }
0x26: {  	[smem:$0x3F90] =	sst s1;
	(tag) =	ssettag s2;
	_ =	strace s9  }
0x27: {  	s1 =	sld [smem:$0x3FA0]  }
0x28: {  	s2 =	sld [smem:$0x3FA1]  }
0x29: {  	s4 =	sld [smem:$0x3FA3]  }
0x2a: {  	p0 =	seq.s32 s5, $0x0;
	s5 =	sld [smem:$0x3FA4]  }
0x2b: {  	s6 =	sld [smem:$0x3FA5]  }
0x2c: {  	s7 =	sld [smem:$0x3FA6]  }
0x2d: {  	s3 =	simm.s32 $0x108;
	s8 =	sld [smem:$0x3FA7]  }
0x2e: {  	s3 =	simm.s32 @!p0 $0x1082;
	s9 =	sld [smem:$0x3FA8]  }
0x2f: {  	lr =	sadd.s32 s0, s3;
	s0 =	sld [smem:$0x3F9F]  }
0x30: {  	s3 =	sld [smem:$0x3FA2]  }
0x31: {  	[smem:$0x3FAB] =	sst s10  }
0x32: {  	s10 =	sld [smem:$0x3FA9];
	_ =	sdelay $0x3  }
0x33: {  	p0 =	seq.s32 s10, $0x1;
	s10 =	sld [smem:$0x3FAB];
	_ =	sdelay $0x3  }
0x34: {  	[smem:$0x3FAB] =	sst s10  }
0x35: {  	s10 =	sld [smem:$0x3FAA];
	_ =	sdelay $0x3  }
0x36: {  	p1 =	seq.s32 s10, $0x1;
	s10 =	sld [smem:$0x3FAB];
	_ =	sdelay $0x3  }
0x37: {  	[smem:$0x3FAB] =	sst s10  }
0x38: {  	s10 =	sld [smem:$0x3FAC]  }
0x39: {  	_ = 	snop;
	(pc) =	sbr.ind lr, $3  }
0x3a: {  	_ = 	snop  }
0x3b: {  	_ = 	snop  }
0x3c: {  	p2 =	seq.s32 s10, $0x1;
	s10 =	sld [smem:$0x3FAB]  }
0x3d: {  	_ =	shalt  }
0x3e: {  	_ =	shalt  }
0x3f: {  	_ =	shalt  }
0x40: {  	_ =	shalt  }
0x41: {  	_ =	shalt  }
0x42: {  	_ =	shalt  }
0x43: {  	_ =	shalt  }
0x44: {  	_ =	shalt  }
0x45: {  	_ =	shalt  }
0x46: {  	_ =	shalt  }
0x47: {  	_ =	shalt  }
0x48: {  	_ =	shalt  }
0x49: {  	_ =	shalt  }
0x4a: {  	_ =	shalt  }
0x4b: {  	_ =	shalt  }
0x4c: {  	_ =	shalt  }
0x4d: {  	_ =	shalt  }
0x4e: {  	_ =	shalt  }
0x4f: {  	_ =	shalt  }
0x50: {  	_ =	shalt  }
0x51: {  	_ =	shalt  }
0x52: {  	_ =	shalt  }
0x53: {  	_ =	shalt  }
0x54: {  	_ =	shalt  }
0x55: {  	_ =	shalt  }
0x56: {  	_ =	shalt  }
0x57: {  	_ =	shalt  }
0x58: {  	_ =	shalt  }
0x59: {  	_ =	shalt  }
0x5a: {  	_ =	shalt  }
0x5b: {  	_ =	shalt  }
0x5c: {  	_ =	shalt  }
0x5d: {  	_ =	shalt  }
0x5e: {  	_ =	shalt  }
0x5f: {  	_ =	shalt  }
0x60: {  	_ =	shalt  }
0x61: {  	_ =	shalt  }
0x62: {  	_ =	shalt  }
0x63: {  	_ =	shalt  }
0x64: {  	_ =	shalt  }
0x65: {  	_ =	shalt  }
0x66: {  	_ =	shalt  }
0x67: {  	_ =	shalt  }
0x68: {  	_ =	shalt  }
0x69: {  	_ =	shalt  }
0x6a: {  	_ =	shalt  }
0x6b: {  	_ =	shalt  }
0x6c: {  	_ =	shalt  }
0x6d: {  	_ =	shalt  }
0x6e: {  	_ =	shalt  }
0x6f: {  	_ =	shalt  }
0x70: {  	_ =	shalt  }
0x71: {  	_ =	shalt  }
0x72: {  	_ =	shalt  }
0x73: {  	_ =	shalt  }
0x74: {  	_ =	shalt  }
0x75: {  	_ =	shalt  }
0x76: {  	_ =	shalt  }
0x77: {  	_ =	shalt  }
0x78: {  	_ =	shalt  }
0x79: {  	_ =	shalt  }
0x7a: {  	_ =	shalt  }
0x7b: {  	_ =	shalt  }
0x7c: {  	_ =	shalt  }
0x7d: {  	_ =	shalt  }
0x7e: {  	_ =	shalt  }
0x7f: {  	_ =	shalt  }
0x80: {  	_ =	shalt  }
0x81: {  	_ =	shalt  }
0x82: {  	_ =	shalt  }
0x83: {  	_ =	shalt  }
0x84: {  	_ =	shalt  }
0x85: {  	_ =	shalt  }
0x86: {  	_ =	shalt  }
0x87: {  	_ =	shalt  }
.Lfunc_end0:
.L_simem_size_0:
called_computation_lowered:
.L_overlay_start_0:
0x88: {  	s2 =	sld [smem:$0x3FD9]  }
0x89: {  	s3 =	sld [smem:$0x3FFE];
	_ =	sdelay $0x1  }
0x8a: {  	s1 =	srdreg.scid  }
0x8b: {  	s0 =	sand.u32 $0x1, s1  }
0x8c: {  	s14 =	sshll.u32 s0, $0xA;
	s2 =	sadd.s32 s3, s2  }
0x8d: {  	s2 =	sadd.s32 s2, s14  }
0x8e: {  	[smem:$0x3FB7] =	sst s2  }
0x8f: {  	_ = 	snop  }
0x90: {  	s2 =	sld [smem:$0x3FD0];
	_ =	sdelay $0x2  }
0x91: {  	s15 =	simm.s32 $0xA;
	s4 =	simm.s32 $0x10  }
0x92: {  	[smem:s4], [sflag:s15] =	dma.local [hbm:s2], $0x1  }
0x93: {  	_ =	swait.eq [sflag:s15], $0x1  }
0x94: {  	[sflag:s15] =	ssyncset.done $0x0  }
0x95: {  	s16 =	sld [smem:$0x10];
	[sflag:s15] =	ssyncadd.s32 $0xFFFFFFFF  }
0x96: {  	s17 =	sld [smem:$0x11];
	(tm) =	ssettm $0x1  }
0x97: {  	s18 =	sld [smem:$0x3FFB];
	_ =	sdelay $0x3  }
0x98: {  	_ =	strace s18  }
0x99: {  	s4 =	sld [smem:$0x3FFC];
	_ =	sdelay $0x3  }
0x9a: {  	_ =	strace s4  }
0x9b: {  	s4 =	sld [smem:$0x3FFD];
	_ =	sdelay $0x3  }
0x9c: {  	_ =	strace s4  }
0x9d: {  	_ =	strace $0x8FFFFFFF  }
0x9e: {  	s19 =	sld [smem:$0x3FDB];
	_ =	sdelay $0x1  }
0x9f: {  	s5 =	simm.s32 $_scs_section_size  }
0xa0: {  	s6 =	simm.s32 $_size__tile_overlayer_lowered;
	s7 =	simm.s32 $_tile_overlayer_lowered  }
0xa1: {  	s22 =	simm.s32 $0x1BFF;
	s21 =	sshll.u32 s7, $0x1;
	s4 =	sadd.s32 s5, s19  }
0xa2: {  	s8 =	simm.s32 $0x0;
	s20 =	sshll.u32 s6, $0x1;
	s6 =	sadd.s32 s21, s4  }
0xa3: {  	[timem:s8], [sflag:s22] =	dma.local [hbm:s6], s20  }
0xa4: {  	_ =	swait.ge [sflag:s22], s20  }
0xa5: {  	s5 =	ssub.s32 $0x0, s20;
	[sflag:s22] =	ssyncset.done $0x0  }
0xa6: {  	[sflag:s22] =	ssyncadd.s32 s5;
	_ =	sdelay $0x1  }
0xa7: {  	s23 =	simm.s32 $0x1B8B  }
0xa8: {  	_ =	swait.ge [sflag:s23], $0x1  }
0xa9: {  	[sflag:s23] =	ssyncset.done $0x0  }
0xaa: {  	s25 =	simm.s32 $0x1B8E;
	s24 =	sld [smem:$0x3FFE];
	[sflag:s23] =	ssyncadd.s32 $0xFFFFFFFF  }
0xab: {  	s26 =	simm.s32 $execute0_lowered;
	[smem:$0x3FD2] =	sst s25  }
0xac: {  	s6 =	sshll.u32 s26, $0x1;
	_ =	strace $0x80000046;
	[dreg:$0x1] =	wrdreg $0xFFFFFFFF  }
0xad: {  	s28 =	simm.s32 $_size_execute0_lowered;
	s4 =	sadd.s32 s4, s6;
	[dreg:$0x0] =	wrdreg $0x0  }
0xae: {  	s6 =	sshll.u32 s28, $0x1;
	[dreg:$0x2] =	wrdreg s4  }
0xaf: {  	[dreg:$0x3] =	wrdreg s6  }
0xb0: {  	[dreg:$0x4] =	wrdreg $0xC0  }
0xb1: {  	_ =	task [dreg:s8], $0x5FFFF  }
0xb2: {  	[dreg:$0x1] =	wrdreg $0xFFFFFFFF  }
0xb3: {  	[dreg:$0x0] =	wrdreg $0x60  }
0xb4: {  	[dreg:$0x2] =	wrdreg s24  }
0xb5: {  	[dreg:$0x3] =	wrdreg s16  }
0xb6: {  	[dreg:$0x4] =	wrdreg s17  }
0xb7: {  	[dreg:$0x5] =	wrdreg $0x90000  }
0xb8: {  	[dreg:$0x6] =	wrdreg $0x9  }
0xb9: {  	_ =	task.clear_ibuf [dreg:s8], $0x7FFFF;
	_ =	strace $0x90000046  }
0xba: {  	s29 =	simm.s32 $0x9;
	_ =	strace $0x80000048  }
0xbb: {  	_ =	swait.ge [sflag:s29], $0x1  }
0xbc: {  	[sflag:s29] =	ssyncadd.s32 $0xFFFFFFFF  }
0xbd: {  	_ =	strace $0x90000048  }
0xbe: {  	_ =	sfence  }
0xbf: {  	s30 =	sld [smem:$0x0];
	_ =	sdelay $0x2  }
0xc0: {  	s31 =	sshll.u32 s1, $0xD;
	s1 =	sshrl.u32 s1, $0x2  }
0xc1: {  	s3 =	sand.u32 $0x4000, s31;
	s1 =	sadd.s32 s1, s30  }
0xc2: {  	s0 =	sor.u32 s3, s0;
	s1 =	sshll.u32 s1, $0x11  }
0xc3: {  	s0 =	sor.u32 s1, s0  }
0xc4: {  	s0 =	sadd.s32 $0x8F2B, s0  }
0xc5: {  	[sflag:s0] =	ssyncadd.remote.s32 $0x1  }
0xc6: {  	_ =	sfence.sel $0xFFFF  }
0xc7: {  	[dreg:$0x0] =	wrdreg $0xFFFFFFFF;
	(pc) =	sbr.abs _section_cstart, $3  }
0xc8: {  	[dreg:$0x1] =	wrdreg $0xFFFFFFFF  }
0xc9: {  	_ =	task.clear_ibuf [dreg:s8], $0x2FFFF;
	_ =	strace $0x9FFFFFFF  }
0xca: {  	(tm) =	ssettm $0x7FFFFFFF  }
0xcb: {  	_ =	shalt  }
tec
execute0_lowered:
.L_overlay_start_1:
0x0: {  	(tag) =	ssettag $0x1  }
0x1: {  	s0 =	rddreg [dreg:$0x0]  }
0x2: {  	s1 =	rddreg [dreg:$0x1]  }
0x3: {  	s22 =	rddreg [dreg:$0x2]  }
0x4: {  	s2 =	rddreg [dreg:$0x3];
	s3 =	simm.s32 $0x0;
	s12 =	stileid.u32  }
0x5: {  	s6 =	srdreg.scid;
	s13 =	simm.s32 $0x180;
	s14 =	simm.s32 $0x900  }
0x6: {  	s15 =	simm.s32 $0x200;
	s16 =	simm.s32 $0x980;
	s17 =	simm.s32 $0x280  }
0x7: {  	s18 =	simm.s32 $0xA00;
	s20 =	simm.s32 $0x300;
	[dreg:$0x5] =	wrdreg s1  }
0x8: {  	s21 =	simm.s32 $0xA80;
	[smem:$0x7FF] =	sst s3;
	s23 =	sadd.s32 $0x52E00, s0  }
0x9: {  	s28 =	simm.s32 $0xE00;
	_ =	strace $0x80000047;
	[dreg:$0x6] =	wrdreg s23  }
0xa: {  	s29 =	simm.s32 $0x700;
	s30 =	simm.s32 $0xE80;
	[dreg:$0x9] =	wrdreg s13  }
0xb: {  	s31 =	simm.s32 $0x780;
	s5 =	smul.u32 $0x13C00, s12;
	[dreg:$0xa] =	wrdreg s14  }
0xc: {  	s4 =	sadd.s32 $0x4C00, s0;
	s7 =	sand.u32 $0x1, s6;
	[dreg:$0xb] =	wrdreg s15  }
0xd: {  	s26 =	sshll.u32 s12, $0xC;
	s10 =	smul.u32 $0x4F000, s12;
	[dreg:$0xc] =	wrdreg s16  }
0xe: {  	s11 =	sshll.u32 s12, $0xE;
	s6 =	simm.s32 $0x8;
	[dreg:$0xd] =	wrdreg s17  }
0xf: {  	s12 =	sshll.u32 s12, $0x6;
	s9 =	ssub.s32 $0x2, s7;
	[dreg:$0xe] =	wrdreg s18  }
0x10: {  	p0 =	seq.s32 s7, $0x0;
	s7 =	smul.u32 $0x13C000, s7;
	[dreg:$0xf] =	wrdreg s20  }
0x11: {  	[dreg:$0x10] =	wrdreg s21;
	s13 =	simm.s32 $0x800;
	s23 =	simm.s32 $0xB00  }
0x12: {  	s14 =	simm.s32 $0x80;
	s15 =	simm.s32 $0x1000;
	s16 =	simm.s32 $0x5000  }
0x13: {  	s17 =	simm.s32 $0x1;
	s18 =	simm.s32 $0x2;
	s20 =	simm.s32 $0x500  }
0x14: {  	s21 =	simm.s32 $0xC80;
	s8 =	sshrl.u32 s5, $0x3;
	s24 =	sshrl.u32 s9, $0x1  }
0x15: {  	s10 =	sshrl.u32 s10, $0x2;
	s6 =	simm.s32 @!p0 $0x2;
	[dreg:$0x12] =	wrdreg s23  }
0x16: {  	s23 =	simm.s32 $0xD00;
	s0 =	sadd.s32 s8, s0;
	s25 =	ssub.s32 s9, s24  }
0x17: {  	s9 =	sor.u32 $0x40000, s26;
	[dreg:$0x16] =	wrdreg s6;
	s10 =	sadd.s32 s10, s2  }
0x18: {  	s6 =	simm.s32 $0x100;
	s5 =	sadd.s32 s5, s7;
	s24 =	simm.s32 $0x400  }
0x19: {  	s26 =	simm.s32 $0x480;
	s7 =	simm.s32 $0x0;
	[dreg:$0x7] =	wrdreg s6  }
0x1a: {  	s9 =	smov.u32 @p0 s11;
	s0 =	sadd.s32 $0x5CE00, s0;
	[dreg:$0x13] =	wrdreg s24  }
0x1b: {  	s11 =	simm.s32 $0x880;
	s6 =	sor.u32 $0x1C03, s12;
	[dreg:$0x15] =	wrdreg s26  }
0x1c: {  	s5 =	sshrl.u32 s5, $0x3;
	s19 =	smax.u32 s25, $0x1;
	[dreg:$0x17] =	wrdreg s0  }
0x1d: {  	s12 =	simm.s32 $0x3;
	s25 =	simm.s32 $0xB80;
	[dreg:$0x8] =	wrdreg s11  }
0x1e: {  	s24 =	simm.s32 $0x600;
	s26 =	simm.s32 $0x680;
	[dreg:$0x19] =	wrdreg s19  }
0x1f: {  	s1 =	sadd.s32 s22, s5;
	s11 =	sshrl.u32 s10, $0x3;
	[dreg:$0x14] =	wrdreg s25  }
0x20: {  	s22 =	simm.s32 $0x380;
	s19 =	simm.s32 $0xC00;
	[dreg:$0x1a] =	wrdreg s6  }
0x21: {  	s25 =	simm.s32 $0xD80;
	s0 =	simm.s32 $0xF00;
	[dreg:$0x18] =	wrdreg s1  }
0x22: {  	[dreg:$0x11] =	wrdreg s22;
	s22 =	simm.s32 $0x580;
	s1 =	simm.s32 $0xF80  }
.LBB2_1:
0x23: {  	s5 =	rddreg [dreg:$0x17]  }
0x24: {  	[spmem:s11], [sflag:s6] =	dma.local [hbm:s5], $0x2780  }
0x25: {  	_ =	swait.ge [sflag:s12], $0x2780  }
0x26: {  	[sflag:s12] =	ssyncset.done $0x0  }
0x27: {  	[sflag:s12] =	ssyncadd.s32 $0xFFFFD880  }
0x28: {  	[bflag:$0x0] =	sbarrier.arrive $0xFFFF  }
0x29: {  	s10 =	rddreg [dreg:$0x16]  }
0x2a: {  	p1 =	sne.s32 s10, $0x1  }
.Ltmp0:
0x2b: {  	_ = 	snop;
	(pc) =	sbr.rel @!p1 .LBB2_2-.Ltmp0, $2  }
0x2c: {  	_ =	sdelay $0x2  }
0x2d: {  	p0 =	por $0x0, $0x0;
	s8 =	rddreg [dreg:$0x5];
	s5 =	sadd.s32 $0xFFFFFFFF, s10  }
0x2e: {  	s10 =	sshrl.u32 s9, $0x3  }
0x2f: {  	s8 =	sadd.s32 s8, s10  }
0x30: {  	[tilespmem:s3], [sflag:$0x3] =	stream.linear.gather [hbm4b:s8+s3], $0x800, $0x38;
	[tilespmem:$0x1CC00] =	vst v63  }
0x31: {  	_ =	swait.ge [sflag:s12], $0x800  }
0x32: {  	s6 =	rddreg [dreg:$0x6];
	[sflag:s12] =	ssyncset.done $0x0  }
0x33: {  	[sflag:s12] =	ssyncadd.s32 $0xFFFFF800;
	s8 =	sadd.s32 s6, s10  }
0x34: {  	[tilespmem:s13], [sflag:$0x3] =	stream.linear.gather [hbm4b:s8+s3], $0x800, $0x38;
	[tilespmem:$0x1CC00] =	vst v63  }
0x35: {  	_ =	swait.ge [sflag:s12], $0x800  }
0x36: {  	[sflag:s12] =	ssyncset.done $0x0  }
0x37: {  	[sflag:s12] =	ssyncadd.s32 $0xFFFFF800  }
0x38: {  	[tilespmem:s15], [sflag:$0x1] =	stream.indirect.gather [hbm4b:s4+s14], $0x80, s3, s14, $0xb8;
	[tilespmem:$0x1CC00] =	vst v63  }
0x39: {  	_ = 	snop  }
0x3a: {  	[tilespmem:s16], [sflag:$0x2] =	stream.indirect.gather [hbm4b:s4+s14], $0x80, s14, s14, $0xb8;
	[tilespmem:$0x1CC00] =	vst v63  }
0x3b: {  	_ =	swait.ge [sflag:s17], $0x4000  }
0x3c: {  	[sflag:s17] =	ssyncset.done $0x0  }
0x3d: {  	[sflag:s17] =	ssyncadd.s32 $0xFFFFC000  }
0x3e: {  	[spmem:s2] =	stream.indirect.scatter.add.f32 [tilespmem:s15], [sflag:$0x3], $0x80, s13, s14, $0xb8;
	[tilespmem:$0x1CC00] =	vst v63  }
0x3f: {  	_ =	swait.ge [sflag:s12], $0x4000  }
0x40: {  	[sflag:s12] =	ssyncset.done $0x0  }
0x41: {  	s10 =	rddreg [dreg:$0x7];
	[sflag:s12] =	ssyncadd.s32 $0xFFFFC000  }
0x42: {  	[tilespmem:s15], [sflag:$0x1] =	stream.indirect.gather [hbm4b:s4+s14], $0x80, s10, s14, $0xb8;
	[tilespmem:$0x1CC00] =	vst v63  }
0x43: {  	_ =	swait.ge [sflag:s18], $0x4000  }
0x44: {  	[sflag:s18] =	ssyncset.done $0x0  }
0x45: {  	s6 =	rddreg [dreg:$0x8];
	[sflag:s18] =	ssyncadd.s32 $0xFFFFC000  }
0x46: {  	[spmem:s2] =	stream.indirect.scatter.add.f32 [tilespmem:s16], [sflag:$0x3], $0x80, s6, s14, $0xb8;
	[tilespmem:$0x1CC00] =	vst v63  }
0x47: {  	_ =	swait.ge [sflag:s12], $0x4000  }
0x48: {  	[sflag:s12] =	ssyncset.done $0x0  }
0x49: {  	s10 =	rddreg [dreg:$0x9];
	[sflag:s12] =	ssyncadd.s32 $0xFFFFC000  }
0x4a: {  	[tilespmem:s16], [sflag:$0x2] =	stream.indirect.gather [hbm4b:s4+s14], $0x80, s10, s14, $0xb8;
	[tilespmem:$0x1CC00] =	vst v63  }
0x4b: {  	_ =	swait.ge [sflag:s17], $0x4000  }
0x4c: {  	[sflag:s17] =	ssyncset.done $0x0  }
0x4d: {  	s6 =	rddreg [dreg:$0xa];
	[sflag:s17] =	ssyncadd.s32 $0xFFFFC000  }
0x4e: {  	[spmem:s2] =	stream.indirect.scatter.add.f32 [tilespmem:s15], [sflag:$0x3], $0x80, s6, s14, $0xb8;
	[tilespmem:$0x1CC00] =	vst v63  }
0x4f: {  	_ =	swait.ge [sflag:s12], $0x4000  }
0x50: {  	[sflag:s12] =	ssyncset.done $0x0  }
0x51: {  	s10 =	rddreg [dreg:$0xb];
	[sflag:s12] =	ssyncadd.s32 $0xFFFFC000  }
0x52: {  	[tilespmem:s15], [sflag:$0x1] =	stream.indirect.gather [hbm4b:s4+s14], $0x80, s10, s14, $0xb8;
	[tilespmem:$0x1CC00] =	vst v63  }
0x53: {  	_ =	swait.ge [sflag:s18], $0x4000  }
0x54: {  	[sflag:s18] =	ssyncset.done $0x0  }
0x55: {  	s6 =	rddreg [dreg:$0xc];
	[sflag:s18] =	ssyncadd.s32 $0xFFFFC000  }
0x56: {  	[spmem:s2] =	stream.indirect.scatter.add.f32 [tilespmem:s16], [sflag:$0x3], $0x80, s6, s14, $0xb8;
	[tilespmem:$0x1CC00] =	vst v63  }
0x57: {  	_ =	swait.ge [sflag:s12], $0x4000  }
0x58: {  	[sflag:s12] =	ssyncset.done $0x0  }
0x59: {  	s10 =	rddreg [dreg:$0xd];
	[sflag:s12] =	ssyncadd.s32 $0xFFFFC000  }
0x5a: {  	[tilespmem:s16], [sflag:$0x2] =	stream.indirect.gather [hbm4b:s4+s14], $0x80, s10, s14, $0xb8;
	[tilespmem:$0x1CC00] =	vst v63  }
0x5b: {  	_ =	swait.ge [sflag:s17], $0x4000  }
0x5c: {  	[sflag:s17] =	ssyncset.done $0x0  }
0x5d: {  	s6 =	rddreg [dreg:$0xe];
	[sflag:s17] =	ssyncadd.s32 $0xFFFFC000  }
0x5e: {  	[spmem:s2] =	stream.indirect.scatter.add.f32 [tilespmem:s15], [sflag:$0x3], $0x80, s6, s14, $0xb8;
	[tilespmem:$0x1CC00] =	vst v63  }
0x5f: {  	_ =	swait.ge [sflag:s12], $0x4000  }
0x60: {  	[sflag:s12] =	ssyncset.done $0x0  }
0x61: {  	s10 =	rddreg [dreg:$0xf];
	[sflag:s12] =	ssyncadd.s32 $0xFFFFC000  }
0x62: {  	[tilespmem:s15], [sflag:$0x1] =	stream.indirect.gather [hbm4b:s4+s14], $0x80, s10, s14, $0xb8;
	[tilespmem:$0x1CC00] =	vst v63  }
0x63: {  	_ =	swait.ge [sflag:s18], $0x4000  }
0x64: {  	[sflag:s18] =	ssyncset.done $0x0  }
0x65: {  	s6 =	rddreg [dreg:$0x10];
	[sflag:s18] =	ssyncadd.s32 $0xFFFFC000  }
0x66: {  	[spmem:s2] =	stream.indirect.scatter.add.f32 [tilespmem:s16], [sflag:$0x3], $0x80, s6, s14, $0xb8;
	[tilespmem:$0x1CC00] =	vst v63  }
0x67: {  	_ =	swait.ge [sflag:s12], $0x4000  }
0x68: {  	[sflag:s12] =	ssyncset.done $0x0  }
0x69: {  	s10 =	rddreg [dreg:$0x11];
	[sflag:s12] =	ssyncadd.s32 $0xFFFFC000  }
0x6a: {  	[tilespmem:s16], [sflag:$0x2] =	stream.indirect.gather [hbm4b:s4+s14], $0x80, s10, s14, $0xb8;
	[tilespmem:$0x1CC00] =	vst v63  }
0x6b: {  	_ =	swait.ge [sflag:s17], $0x4000  }
0x6c: {  	[sflag:s17] =	ssyncset.done $0x0  }
0x6d: {  	s6 =	rddreg [dreg:$0x12];
	[sflag:s17] =	ssyncadd.s32 $0xFFFFC000  }
0x6e: {  	[spmem:s2] =	stream.indirect.scatter.add.f32 [tilespmem:s15], [sflag:$0x3], $0x80, s6, s14, $0xb8;
	[tilespmem:$0x1CC00] =	vst v63  }
0x6f: {  	_ =	swait.ge [sflag:s12], $0x4000  }
0x70: {  	[sflag:s12] =	ssyncset.done $0x0  }
0x71: {  	s10 =	rddreg [dreg:$0x13];
	[sflag:s12] =	ssyncadd.s32 $0xFFFFC000  }
0x72: {  	[tilespmem:s15], [sflag:$0x1] =	stream.indirect.gather [hbm4b:s4+s14], $0x80, s10, s14, $0xb8;
	[tilespmem:$0x1CC00] =	vst v63  }
0x73: {  	_ =	swait.ge [sflag:s18], $0x4000  }
0x74: {  	[sflag:s18] =	ssyncset.done $0x0  }
0x75: {  	s6 =	rddreg [dreg:$0x14];
	[sflag:s18] =	ssyncadd.s32 $0xFFFFC000  }
0x76: {  	[spmem:s2] =	stream.indirect.scatter.add.f32 [tilespmem:s16], [sflag:$0x3], $0x80, s6, s14, $0xb8;
	[tilespmem:$0x1CC00] =	vst v63  }
0x77: {  	_ =	swait.ge [sflag:s12], $0x4000  }
0x78: {  	[sflag:s12] =	ssyncset.done $0x0  }
0x79: {  	s10 =	rddreg [dreg:$0x15];
	[sflag:s12] =	ssyncadd.s32 $0xFFFFC000  }
0x7a: {  	[tilespmem:s16], [sflag:$0x2] =	stream.indirect.gather [hbm4b:s4+s14], $0x80, s10, s14, $0xb8;
	[tilespmem:$0x1CC00] =	vst v63  }
0x7b: {  	_ =	swait.ge [sflag:s17], $0x4000  }
0x7c: {  	[sflag:s17] =	ssyncset.done $0x0  }
0x7d: {  	[sflag:s17] =	ssyncadd.s32 $0xFFFFC000  }
0x7e: {  	[spmem:s2] =	stream.indirect.scatter.add.f32 [tilespmem:s15], [sflag:$0x3], $0x80, s19, s14, $0xb8;
	[tilespmem:$0x1CC00] =	vst v63  }
0x7f: {  	_ =	swait.ge [sflag:s12], $0x4000  }
0x80: {  	[sflag:s12] =	ssyncset.done $0x0  }
0x81: {  	[sflag:s12] =	ssyncadd.s32 $0xFFFFC000  }
0x82: {  	[tilespmem:s15], [sflag:$0x1] =	stream.indirect.gather [hbm4b:s4+s14], $0x80, s20, s14, $0xb8;
	[tilespmem:$0x1CC00] =	vst v63  }
0x83: {  	_ =	swait.ge [sflag:s18], $0x4000  }
0x84: {  	[sflag:s18] =	ssyncset.done $0x0  }
0x85: {  	[sflag:s18] =	ssyncadd.s32 $0xFFFFC000  }
0x86: {  	[spmem:s2] =	stream.indirect.scatter.add.f32 [tilespmem:s16], [sflag:$0x3], $0x80, s21, s14, $0xb8;
	[tilespmem:$0x1CC00] =	vst v63  }
0x87: {  	_ =	swait.ge [sflag:s12], $0x4000  }
0x88: {  	[sflag:s12] =	ssyncset.done $0x0  }
0x89: {  	[sflag:s12] =	ssyncadd.s32 $0xFFFFC000  }
0x8a: {  	[tilespmem:s16], [sflag:$0x2] =	stream.indirect.gather [hbm4b:s4+s14], $0x80, s22, s14, $0xb8;
	[tilespmem:$0x1CC00] =	vst v63  }
0x8b: {  	_ =	swait.ge [sflag:s17], $0x4000  }
0x8c: {  	[sflag:s17] =	ssyncset.done $0x0  }
0x8d: {  	[sflag:s17] =	ssyncadd.s32 $0xFFFFC000  }
0x8e: {  	[spmem:s2] =	stream.indirect.scatter.add.f32 [tilespmem:s15], [sflag:$0x3], $0x80, s23, s14, $0xb8;
	[tilespmem:$0x1CC00] =	vst v63  }
0x8f: {  	_ =	swait.ge [sflag:s12], $0x4000  }
0x90: {  	[sflag:s12] =	ssyncset.done $0x0  }
0x91: {  	[sflag:s12] =	ssyncadd.s32 $0xFFFFC000  }
0x92: {  	[tilespmem:s15], [sflag:$0x1] =	stream.indirect.gather [hbm4b:s4+s14], $0x80, s24, s14, $0xb8;
	[tilespmem:$0x1CC00] =	vst v63  }
0x93: {  	_ =	swait.ge [sflag:s18], $0x4000  }
0x94: {  	[sflag:s18] =	ssyncset.done $0x0  }
0x95: {  	[sflag:s18] =	ssyncadd.s32 $0xFFFFC000  }
0x96: {  	[spmem:s2] =	stream.indirect.scatter.add.f32 [tilespmem:s16], [sflag:$0x3], $0x80, s25, s14, $0xb8;
	[tilespmem:$0x1CC00] =	vst v63  }
0x97: {  	_ =	swait.ge [sflag:s12], $0x4000  }
0x98: {  	[sflag:s12] =	ssyncset.done $0x0  }
0x99: {  	[sflag:s12] =	ssyncadd.s32 $0xFFFFC000  }
0x9a: {  	[tilespmem:s16], [sflag:$0x2] =	stream.indirect.gather [hbm4b:s4+s14], $0x80, s26, s14, $0xb8;
	[tilespmem:$0x1CC00] =	vst v63  }
0x9b: {  	_ =	swait.ge [sflag:s17], $0x4000  }
0x9c: {  	[sflag:s17] =	ssyncset.done $0x0  }
0x9d: {  	[sflag:s17] =	ssyncadd.s32 $0xFFFFC000  }
0x9e: {  	[spmem:s2] =	stream.indirect.scatter.add.f32 [tilespmem:s15], [sflag:$0x3], $0x80, s28, s14, $0xb8;
	[tilespmem:$0x1CC00] =	vst v63  }
0x9f: {  	_ =	swait.ge [sflag:s12], $0x4000  }
0xa0: {  	[sflag:s12] =	ssyncset.done $0x0  }
0xa1: {  	[sflag:s12] =	ssyncadd.s32 $0xFFFFC000  }
0xa2: {  	[tilespmem:s15], [sflag:$0x1] =	stream.indirect.gather [hbm4b:s4+s14], $0x80, s29, s14, $0xb8;
	[tilespmem:$0x1CC00] =	vst v63  }
0xa3: {  	_ =	swait.ge [sflag:s18], $0x4000  }
0xa4: {  	[sflag:s18] =	ssyncset.done $0x0  }
0xa5: {  	[sflag:s18] =	ssyncadd.s32 $0xFFFFC000  }
0xa6: {  	[spmem:s2] =	stream.indirect.scatter.add.f32 [tilespmem:s16], [sflag:$0x3], $0x80, s30, s14, $0xb8;
	[tilespmem:$0x1CC00] =	vst v63  }
0xa7: {  	_ =	swait.ge [sflag:s12], $0x4000  }
0xa8: {  	[sflag:s12] =	ssyncset.done $0x0  }
0xa9: {  	[sflag:s12] =	ssyncadd.s32 $0xFFFFC000  }
0xaa: {  	[tilespmem:s16], [sflag:$0x2] =	stream.indirect.gather [hbm4b:s4+s14], $0x80, s31, s14, $0xb8;
	[tilespmem:$0x1CC00] =	vst v63  }
0xab: {  	_ =	swait.ge [sflag:s17], $0x4000  }
0xac: {  	[sflag:s17] =	ssyncset.done $0x0  }
0xad: {  	[sflag:s17] =	ssyncadd.s32 $0xFFFFC000  }
0xae: {  	[spmem:s2] =	stream.indirect.scatter.add.f32 [tilespmem:s15], [sflag:$0x3], $0x80, s0, s14, $0xb8;
	[tilespmem:$0x1CC00] =	vst v63  }
0xaf: {  	_ =	swait.ge [sflag:s12], $0x4000  }
0xb0: {  	[sflag:s12] =	ssyncset.done $0x0  }
0xb1: {  	[sflag:s12] =	ssyncadd.s32 $0xFFFFC000  }
0xb2: {  	p1 =	sne.s32 s5, $0x1;
	_ =	swait.ge [sflag:s18], $0x4000  }
.Ltmp1:
0xb3: {  	[sflag:s18] =	ssyncset.done $0x0;
	(pc) =	sbr.rel @!p1 .LBB2_4-.Ltmp1, $4  }
0xb4: {  	[sflag:s18] =	ssyncadd.s32 $0xFFFFC000  }
0xb5: {  	[spmem:s2] =	stream.indirect.scatter.add.f32 [tilespmem:s16], [sflag:$0x3], $0x80, s1, s14, $0xb8;
	[tilespmem:$0x1CC00] =	vst v63  }
0xb6: {  	p0 =	por $0x1, $0x1;
	s10 =	sadd.s32 $0xFFFFFFFF, s5;
	_ =	swait.ge [sflag:s12], $0x4000  }
0xb7: {  	s5 =	smov.u32 s9;
	s8 =	rddreg [dreg:$0x5];
	[sflag:s12] =	ssyncset.done $0x0  }
.LBB2_5:
0xb8: {  	s5 =	sadd.s32 $0x800, s5  }
0xb9: {  	s6 =	sshrl.u32 s5, $0x3  }
0xba: {  	[sflag:s12] =	ssyncadd.s32 $0xFFFFC000;
	s8 =	sadd.s32 s8, s6  }
0xbb: {  	[tilespmem:s3], [sflag:$0x3] =	stream.linear.gather [hbm4b:s8+s3], $0x800, $0x38;
	[tilespmem:$0x1CC00] =	vst v63  }
0xbc: {  	_ =	swait.ge [sflag:s12], $0x800  }
0xbd: {  	s8 =	rddreg [dreg:$0x6];
	[sflag:s12] =	ssyncset.done $0x0  }
0xbe: {  	[sflag:s12] =	ssyncadd.s32 $0xFFFFF800;
	s6 =	sadd.s32 s8, s6  }
0xbf: {  	[tilespmem:s13], [sflag:$0x3] =	stream.linear.gather [hbm4b:s6+s3], $0x800, $0x38;
	[tilespmem:$0x1CC00] =	vst v63  }
0xc0: {  	_ =	swait.ge [sflag:s12], $0x800  }
0xc1: {  	[sflag:s12] =	ssyncset.done $0x0  }
0xc2: {  	[sflag:s12] =	ssyncadd.s32 $0xFFFFF800  }
0xc3: {  	[tilespmem:s15], [sflag:$0x1] =	stream.indirect.gather [hbm4b:s4+s14], $0x80, s3, s14, $0xb8;
	[tilespmem:$0x1CC00] =	vst v63  }
0xc4: {  	_ = 	snop  }
0xc5: {  	[tilespmem:s16], [sflag:$0x2] =	stream.indirect.gather [hbm4b:s4+s14], $0x80, s14, s14, $0xb8;
	[tilespmem:$0x1CC00] =	vst v63  }
0xc6: {  	_ =	swait.ge [sflag:s17], $0x4000  }
0xc7: {  	[sflag:s17] =	ssyncset.done $0x0  }
0xc8: {  	[sflag:s17] =	ssyncadd.s32 $0xFFFFC000  }
0xc9: {  	[spmem:s2] =	stream.indirect.scatter.add.f32 [tilespmem:s15], [sflag:$0x3], $0x80, s13, s14, $0xb8;
	[tilespmem:$0x1CC00] =	vst v63  }
0xca: {  	_ =	swait.ge [sflag:s12], $0x4000  }
0xcb: {  	[sflag:s12] =	ssyncset.done $0x0  }
0xcc: {  	s8 =	rddreg [dreg:$0x7];
	[sflag:s12] =	ssyncadd.s32 $0xFFFFC000  }
0xcd: {  	[tilespmem:s15], [sflag:$0x1] =	stream.indirect.gather [hbm4b:s4+s14], $0x80, s8, s14, $0xb8;
	[tilespmem:$0x1CC00] =	vst v63  }
0xce: {  	_ =	swait.ge [sflag:s18], $0x4000  }
0xcf: {  	[sflag:s18] =	ssyncset.done $0x0  }
0xd0: {  	s8 =	rddreg [dreg:$0x8];
	[sflag:s18] =	ssyncadd.s32 $0xFFFFC000  }
0xd1: {  	[spmem:s2] =	stream.indirect.scatter.add.f32 [tilespmem:s16], [sflag:$0x3], $0x80, s8, s14, $0xb8;
	[tilespmem:$0x1CC00] =	vst v63  }
0xd2: {  	_ =	swait.ge [sflag:s12], $0x4000  }
0xd3: {  	[sflag:s12] =	ssyncset.done $0x0  }
0xd4: {  	s8 =	rddreg [dreg:$0x9];
	[sflag:s12] =	ssyncadd.s32 $0xFFFFC000  }
0xd5: {  	[tilespmem:s16], [sflag:$0x2] =	stream.indirect.gather [hbm4b:s4+s14], $0x80, s8, s14, $0xb8;
	[tilespmem:$0x1CC00] =	vst v63  }
0xd6: {  	_ =	swait.ge [sflag:s17], $0x4000  }
0xd7: {  	[sflag:s17] =	ssyncset.done $0x0  }
0xd8: {  	s8 =	rddreg [dreg:$0xa];
	[sflag:s17] =	ssyncadd.s32 $0xFFFFC000  }
0xd9: {  	[spmem:s2] =	stream.indirect.scatter.add.f32 [tilespmem:s15], [sflag:$0x3], $0x80, s8, s14, $0xb8;
	[tilespmem:$0x1CC00] =	vst v63  }
0xda: {  	_ =	swait.ge [sflag:s12], $0x4000  }
0xdb: {  	[sflag:s12] =	ssyncset.done $0x0  }
0xdc: {  	s8 =	rddreg [dreg:$0xb];
	[sflag:s12] =	ssyncadd.s32 $0xFFFFC000  }
0xdd: {  	[tilespmem:s15], [sflag:$0x1] =	stream.indirect.gather [hbm4b:s4+s14], $0x80, s8, s14, $0xb8;
	[tilespmem:$0x1CC00] =	vst v63  }
0xde: {  	_ =	swait.ge [sflag:s18], $0x4000  }
0xdf: {  	[sflag:s18] =	ssyncset.done $0x0  }
0xe0: {  	s8 =	rddreg [dreg:$0xc];
	[sflag:s18] =	ssyncadd.s32 $0xFFFFC000  }
0xe1: {  	[spmem:s2] =	stream.indirect.scatter.add.f32 [tilespmem:s16], [sflag:$0x3], $0x80, s8, s14, $0xb8;
	[tilespmem:$0x1CC00] =	vst v63  }
0xe2: {  	_ =	swait.ge [sflag:s12], $0x4000  }
0xe3: {  	[sflag:s12] =	ssyncset.done $0x0  }
0xe4: {  	s8 =	rddreg [dreg:$0xd];
	[sflag:s12] =	ssyncadd.s32 $0xFFFFC000  }
0xe5: {  	[tilespmem:s16], [sflag:$0x2] =	stream.indirect.gather [hbm4b:s4+s14], $0x80, s8, s14, $0xb8;
	[tilespmem:$0x1CC00] =	vst v63  }
0xe6: {  	_ =	swait.ge [sflag:s17], $0x4000  }
0xe7: {  	[sflag:s17] =	ssyncset.done $0x0  }
0xe8: {  	s8 =	rddreg [dreg:$0xe];
	[sflag:s17] =	ssyncadd.s32 $0xFFFFC000  }
0xe9: {  	[spmem:s2] =	stream.indirect.scatter.add.f32 [tilespmem:s15], [sflag:$0x3], $0x80, s8, s14, $0xb8;
	[tilespmem:$0x1CC00] =	vst v63  }
0xea: {  	_ =	swait.ge [sflag:s12], $0x4000  }
0xeb: {  	[sflag:s12] =	ssyncset.done $0x0  }
0xec: {  	s8 =	rddreg [dreg:$0xf];
	[sflag:s12] =	ssyncadd.s32 $0xFFFFC000  }
0xed: {  	[tilespmem:s15], [sflag:$0x1] =	stream.indirect.gather [hbm4b:s4+s14], $0x80, s8, s14, $0xb8;
	[tilespmem:$0x1CC00] =	vst v63  }
0xee: {  	_ =	swait.ge [sflag:s18], $0x4000  }
0xef: {  	[sflag:s18] =	ssyncset.done $0x0  }
0xf0: {  	s8 =	rddreg [dreg:$0x10];
	[sflag:s18] =	ssyncadd.s32 $0xFFFFC000  }
0xf1: {  	[spmem:s2] =	stream.indirect.scatter.add.f32 [tilespmem:s16], [sflag:$0x3], $0x80, s8, s14, $0xb8;
	[tilespmem:$0x1CC00] =	vst v63  }
0xf2: {  	_ =	swait.ge [sflag:s12], $0x4000  }
0xf3: {  	[sflag:s12] =	ssyncset.done $0x0  }
0xf4: {  	s8 =	rddreg [dreg:$0x11];
	[sflag:s12] =	ssyncadd.s32 $0xFFFFC000  }
0xf5: {  	[tilespmem:s16], [sflag:$0x2] =	stream.indirect.gather [hbm4b:s4+s14], $0x80, s8, s14, $0xb8;
	[tilespmem:$0x1CC00] =	vst v63  }
0xf6: {  	_ =	swait.ge [sflag:s17], $0x4000  }
0xf7: {  	[sflag:s17] =	ssyncset.done $0x0  }
0xf8: {  	s8 =	rddreg [dreg:$0x12];
	[sflag:s17] =	ssyncadd.s32 $0xFFFFC000  }
0xf9: {  	[spmem:s2] =	stream.indirect.scatter.add.f32 [tilespmem:s15], [sflag:$0x3], $0x80, s8, s14, $0xb8;
	[tilespmem:$0x1CC00] =	vst v63  }
0xfa: {  	_ =	swait.ge [sflag:s12], $0x4000  }
0xfb: {  	[sflag:s12] =	ssyncset.done $0x0  }
0xfc: {  	s8 =	rddreg [dreg:$0x13];
	[sflag:s12] =	ssyncadd.s32 $0xFFFFC000  }
0xfd: {  	[tilespmem:s15], [sflag:$0x1] =	stream.indirect.gather [hbm4b:s4+s14], $0x80, s8, s14, $0xb8;
	[tilespmem:$0x1CC00] =	vst v63  }
0xfe: {  	_ =	swait.ge [sflag:s18], $0x4000  }
0xff: {  	[sflag:s18] =	ssyncset.done $0x0  }
0x100: {  	s8 =	rddreg [dreg:$0x14];
	[sflag:s18] =	ssyncadd.s32 $0xFFFFC000  }
0x101: {  	[spmem:s2] =	stream.indirect.scatter.add.f32 [tilespmem:s16], [sflag:$0x3], $0x80, s8, s14, $0xb8;
	[tilespmem:$0x1CC00] =	vst v63  }
0x102: {  	_ =	swait.ge [sflag:s12], $0x4000  }
0x103: {  	[sflag:s12] =	ssyncset.done $0x0  }
0x104: {  	s8 =	rddreg [dreg:$0x15];
	[sflag:s12] =	ssyncadd.s32 $0xFFFFC000  }
0x105: {  	[tilespmem:s16], [sflag:$0x2] =	stream.indirect.gather [hbm4b:s4+s14], $0x80, s8, s14, $0xb8;
	[tilespmem:$0x1CC00] =	vst v63  }
0x106: {  	_ =	swait.ge [sflag:s17], $0x4000  }
0x107: {  	[sflag:s17] =	ssyncset.done $0x0  }
0x108: {  	[sflag:s17] =	ssyncadd.s32 $0xFFFFC000  }
0x109: {  	[spmem:s2] =	stream.indirect.scatter.add.f32 [tilespmem:s15], [sflag:$0x3], $0x80, s19, s14, $0xb8;
	[tilespmem:$0x1CC00] =	vst v63  }
0x10a: {  	_ =	swait.ge [sflag:s12], $0x4000  }
0x10b: {  	[sflag:s12] =	ssyncset.done $0x0  }
0x10c: {  	[sflag:s12] =	ssyncadd.s32 $0xFFFFC000  }
0x10d: {  	[tilespmem:s15], [sflag:$0x1] =	stream.indirect.gather [hbm4b:s4+s14], $0x80, s20, s14, $0xb8;
	[tilespmem:$0x1CC00] =	vst v63  }
0x10e: {  	_ =	swait.ge [sflag:s18], $0x4000  }
0x10f: {  	[sflag:s18] =	ssyncset.done $0x0  }
0x110: {  	[sflag:s18] =	ssyncadd.s32 $0xFFFFC000  }
0x111: {  	[spmem:s2] =	stream.indirect.scatter.add.f32 [tilespmem:s16], [sflag:$0x3], $0x80, s21, s14, $0xb8;
	[tilespmem:$0x1CC00] =	vst v63  }
0x112: {  	_ =	swait.ge [sflag:s12], $0x4000  }
0x113: {  	[sflag:s12] =	ssyncset.done $0x0  }
0x114: {  	[sflag:s12] =	ssyncadd.s32 $0xFFFFC000  }
0x115: {  	[tilespmem:s16], [sflag:$0x2] =	stream.indirect.gather [hbm4b:s4+s14], $0x80, s22, s14, $0xb8;
	[tilespmem:$0x1CC00] =	vst v63  }
0x116: {  	_ =	swait.ge [sflag:s17], $0x4000  }
0x117: {  	[sflag:s17] =	ssyncset.done $0x0  }
0x118: {  	[sflag:s17] =	ssyncadd.s32 $0xFFFFC000  }
0x119: {  	[spmem:s2] =	stream.indirect.scatter.add.f32 [tilespmem:s15], [sflag:$0x3], $0x80, s23, s14, $0xb8;
	[tilespmem:$0x1CC00] =	vst v63  }
0x11a: {  	_ =	swait.ge [sflag:s12], $0x4000  }
0x11b: {  	[sflag:s12] =	ssyncset.done $0x0  }
0x11c: {  	[sflag:s12] =	ssyncadd.s32 $0xFFFFC000  }
0x11d: {  	[tilespmem:s15], [sflag:$0x1] =	stream.indirect.gather [hbm4b:s4+s14], $0x80, s24, s14, $0xb8;
	[tilespmem:$0x1CC00] =	vst v63  }
0x11e: {  	_ =	swait.ge [sflag:s18], $0x4000  }
0x11f: {  	[sflag:s18] =	ssyncset.done $0x0  }
0x120: {  	[sflag:s18] =	ssyncadd.s32 $0xFFFFC000  }
0x121: {  	[spmem:s2] =	stream.indirect.scatter.add.f32 [tilespmem:s16], [sflag:$0x3], $0x80, s25, s14, $0xb8;
	[tilespmem:$0x1CC00] =	vst v63  }
0x122: {  	_ =	swait.ge [sflag:s12], $0x4000  }
0x123: {  	[sflag:s12] =	ssyncset.done $0x0  }
0x124: {  	[sflag:s12] =	ssyncadd.s32 $0xFFFFC000  }
0x125: {  	[tilespmem:s16], [sflag:$0x2] =	stream.indirect.gather [hbm4b:s4+s14], $0x80, s26, s14, $0xb8;
	[tilespmem:$0x1CC00] =	vst v63  }
0x126: {  	_ =	swait.ge [sflag:s17], $0x4000  }
0x127: {  	[sflag:s17] =	ssyncset.done $0x0  }
0x128: {  	[sflag:s17] =	ssyncadd.s32 $0xFFFFC000  }
0x129: {  	[spmem:s2] =	stream.indirect.scatter.add.f32 [tilespmem:s15], [sflag:$0x3], $0x80, s28, s14, $0xb8;
	[tilespmem:$0x1CC00] =	vst v63  }
0x12a: {  	_ =	swait.ge [sflag:s12], $0x4000  }
0x12b: {  	[sflag:s12] =	ssyncset.done $0x0  }
0x12c: {  	[sflag:s12] =	ssyncadd.s32 $0xFFFFC000  }
0x12d: {  	[tilespmem:s15], [sflag:$0x1] =	stream.indirect.gather [hbm4b:s4+s14], $0x80, s29, s14, $0xb8;
	[tilespmem:$0x1CC00] =	vst v63  }
0x12e: {  	_ =	swait.ge [sflag:s18], $0x4000  }
0x12f: {  	[sflag:s18] =	ssyncset.done $0x0  }
0x130: {  	[sflag:s18] =	ssyncadd.s32 $0xFFFFC000  }
0x131: {  	[spmem:s2] =	stream.indirect.scatter.add.f32 [tilespmem:s16], [sflag:$0x3], $0x80, s30, s14, $0xb8;
	[tilespmem:$0x1CC00] =	vst v63  }
0x132: {  	_ =	swait.ge [sflag:s12], $0x4000  }
0x133: {  	[sflag:s12] =	ssyncset.done $0x0  }
0x134: {  	[sflag:s12] =	ssyncadd.s32 $0xFFFFC000  }
0x135: {  	[tilespmem:s16], [sflag:$0x2] =	stream.indirect.gather [hbm4b:s4+s14], $0x80, s31, s14, $0xb8;
	[tilespmem:$0x1CC00] =	vst v63  }
0x136: {  	_ =	swait.ge [sflag:s17], $0x4000  }
0x137: {  	[sflag:s17] =	ssyncset.done $0x0  }
0x138: {  	[sflag:s17] =	ssyncadd.s32 $0xFFFFC000  }
0x139: {  	[spmem:s2] =	stream.indirect.scatter.add.f32 [tilespmem:s15], [sflag:$0x3], $0x80, s0, s14, $0xb8;
	[tilespmem:$0x1CC00] =	vst v63  }
0x13a: {  	_ =	swait.ge [sflag:s12], $0x4000  }
0x13b: {  	[sflag:s12] =	ssyncset.done $0x0  }
0x13c: {  	[sflag:s12] =	ssyncadd.s32 $0xFFFFC000  }
0x13d: {  	p1 =	sne.s32 s10, $0x1;
	_ =	swait.ge [sflag:s18], $0x4000  }
.Ltmp2:
0x13e: {  	[sflag:s18] =	ssyncset.done $0x0;
	(pc) =	sbr.rel @p1 .LBB2_5-.Ltmp2, $4  }
0x13f: {  	[sflag:s18] =	ssyncadd.s32 $0xFFFFC000  }
0x140: {  	[spmem:s2] =	stream.indirect.scatter.add.f32 [tilespmem:s16], [sflag:$0x3], $0x80, s1, s14, $0xb8;
	[tilespmem:$0x1CC00] =	vst v63  }
0x141: {  	_ =	swait.ge [sflag:s12], $0x4000  }
0x142: {  	s10 =	sadd.s32 $0xFFFFFFFF, s10;
	s8 =	rddreg [dreg:$0x5];
	[sflag:s12] =	ssyncset.done $0x0  }
.LBB2_6:
0x143: {  	s5 =	sadd.s32 @p0 $0x800, s5;
	s6 =	smov.u32 s9  }
0x144: {  	s6 =	smov.u32 @p0 s5  }
0x145: {  	s5 =	sshrl.u32 s6, $0x3  }
0x146: {  	[sflag:s12] =	ssyncadd.s32 @p0 $0xFFFFC000;
	s6 =	sadd.s32 s8, s5  }
0x147: {  	[tilespmem:s3], [sflag:$0x3] =	stream.linear.gather [hbm4b:s6+s3], $0x800, $0x38;
	[tilespmem:$0x1CC00] =	vst v63  }
0x148: {  	_ =	swait.ge [sflag:s12], $0x800  }
0x149: {  	s10 =	rddreg [dreg:$0x6];
	[sflag:s12] =	ssyncset.done $0x0  }
0x14a: {  	s5 =	sadd.s32 s10, s5;
	[sflag:s12] =	ssyncadd.s32 $0xFFFFF800  }
0x14b: {  	[tilespmem:s13], [sflag:$0x3] =	stream.linear.gather [hbm4b:s5+s3], $0x800, $0x38;
	[tilespmem:$0x1CC00] =	vst v63  }
0x14c: {  	_ =	swait.ge [sflag:s12], $0x800  }
0x14d: {  	[sflag:s12] =	ssyncset.done $0x0  }
0x14e: {  	[sflag:s12] =	ssyncadd.s32 $0xFFFFF800  }
0x14f: {  	[tilespmem:s15], [sflag:$0x1] =	stream.indirect.gather [hbm4b:s4+s14], $0x80, s3, s14, $0xb8;
	[tilespmem:$0x1CC00] =	vst v63  }
0x150: {  	_ = 	snop  }
0x151: {  	[tilespmem:s16], [sflag:$0x2] =	stream.indirect.gather [hbm4b:s4+s14], $0x80, s14, s14, $0xb8;
	[tilespmem:$0x1CC00] =	vst v63  }
0x152: {  	_ =	swait.ge [sflag:s17], $0x4000  }
0x153: {  	[sflag:s17] =	ssyncset.done $0x0  }
0x154: {  	[sflag:s17] =	ssyncadd.s32 $0xFFFFC000  }
0x155: {  	[spmem:s2] =	stream.indirect.scatter.add.f32 [tilespmem:s15], [sflag:$0x3], $0x80, s13, s14, $0xb8;
	[tilespmem:$0x1CC00] =	vst v63  }
0x156: {  	_ =	swait.ge [sflag:s12], $0x4000  }
0x157: {  	[sflag:s12] =	ssyncset.done $0x0  }
0x158: {  	s8 =	rddreg [dreg:$0x7];
	[sflag:s12] =	ssyncadd.s32 $0xFFFFC000  }
0x159: {  	[tilespmem:s15], [sflag:$0x1] =	stream.indirect.gather [hbm4b:s4+s14], $0x80, s8, s14, $0xb8;
	[tilespmem:$0x1CC00] =	vst v63  }
0x15a: {  	_ =	swait.ge [sflag:s18], $0x4000  }
0x15b: {  	[sflag:s18] =	ssyncset.done $0x0  }
0x15c: {  	s10 =	rddreg [dreg:$0x8];
	[sflag:s18] =	ssyncadd.s32 $0xFFFFC000  }
0x15d: {  	[spmem:s2] =	stream.indirect.scatter.add.f32 [tilespmem:s16], [sflag:$0x3], $0x80, s10, s14, $0xb8;
	[tilespmem:$0x1CC00] =	vst v63  }
0x15e: {  	_ =	swait.ge [sflag:s12], $0x4000  }
0x15f: {  	[sflag:s12] =	ssyncset.done $0x0  }
0x160: {  	s6 =	rddreg [dreg:$0x9];
	[sflag:s12] =	ssyncadd.s32 $0xFFFFC000  }
0x161: {  	[tilespmem:s16], [sflag:$0x2] =	stream.indirect.gather [hbm4b:s4+s14], $0x80, s6, s14, $0xb8;
	[tilespmem:$0x1CC00] =	vst v63  }
0x162: {  	_ =	swait.ge [sflag:s17], $0x4000  }
0x163: {  	[sflag:s17] =	ssyncset.done $0x0  }
0x164: {  	s8 =	rddreg [dreg:$0xa];
	[sflag:s17] =	ssyncadd.s32 $0xFFFFC000  }
0x165: {  	[spmem:s2] =	stream.indirect.scatter.add.f32 [tilespmem:s15], [sflag:$0x3], $0x80, s8, s14, $0xb8;
	[tilespmem:$0x1CC00] =	vst v63  }
0x166: {  	_ =	swait.ge [sflag:s12], $0x4000  }
0x167: {  	[sflag:s12] =	ssyncset.done $0x0  }
0x168: {  	s10 =	rddreg [dreg:$0xb];
	[sflag:s12] =	ssyncadd.s32 $0xFFFFC000  }
0x169: {  	[tilespmem:s15], [sflag:$0x1] =	stream.indirect.gather [hbm4b:s4+s14], $0x80, s10, s14, $0xb8;
	[tilespmem:$0x1CC00] =	vst v63  }
0x16a: {  	_ =	swait.ge [sflag:s18], $0x4000  }
0x16b: {  	[sflag:s18] =	ssyncset.done $0x0  }
0x16c: {  	s6 =	rddreg [dreg:$0xc];
	[sflag:s18] =	ssyncadd.s32 $0xFFFFC000  }
0x16d: {  	[spmem:s2] =	stream.indirect.scatter.add.f32 [tilespmem:s16], [sflag:$0x3], $0x80, s6, s14, $0xb8;
	[tilespmem:$0x1CC00] =	vst v63  }
0x16e: {  	_ =	swait.ge [sflag:s12], $0x4000  }
0x16f: {  	[sflag:s12] =	ssyncset.done $0x0  }
0x170: {  	s8 =	rddreg [dreg:$0xd];
	[sflag:s12] =	ssyncadd.s32 $0xFFFFC000  }
0x171: {  	[tilespmem:s16], [sflag:$0x2] =	stream.indirect.gather [hbm4b:s4+s14], $0x80, s8, s14, $0xb8;
	[tilespmem:$0x1CC00] =	vst v63  }
0x172: {  	_ =	swait.ge [sflag:s17], $0x4000  }
0x173: {  	[sflag:s17] =	ssyncset.done $0x0  }
0x174: {  	s10 =	rddreg [dreg:$0xe];
	[sflag:s17] =	ssyncadd.s32 $0xFFFFC000  }
0x175: {  	[spmem:s2] =	stream.indirect.scatter.add.f32 [tilespmem:s15], [sflag:$0x3], $0x80, s10, s14, $0xb8;
	[tilespmem:$0x1CC00] =	vst v63  }
0x176: {  	_ =	swait.ge [sflag:s12], $0x4000  }
0x177: {  	[sflag:s12] =	ssyncset.done $0x0  }
0x178: {  	s6 =	rddreg [dreg:$0xf];
	[sflag:s12] =	ssyncadd.s32 $0xFFFFC000  }
0x179: {  	[tilespmem:s15], [sflag:$0x1] =	stream.indirect.gather [hbm4b:s4+s14], $0x80, s6, s14, $0xb8;
	[tilespmem:$0x1CC00] =	vst v63  }
0x17a: {  	_ =	swait.ge [sflag:s18], $0x4000  }
0x17b: {  	[sflag:s18] =	ssyncset.done $0x0  }
0x17c: {  	s8 =	rddreg [dreg:$0x10];
	[sflag:s18] =	ssyncadd.s32 $0xFFFFC000  }
0x17d: {  	[spmem:s2] =	stream.indirect.scatter.add.f32 [tilespmem:s16], [sflag:$0x3], $0x80, s8, s14, $0xb8;
	[tilespmem:$0x1CC00] =	vst v63  }
0x17e: {  	_ =	swait.ge [sflag:s12], $0x4000  }
0x17f: {  	[sflag:s12] =	ssyncset.done $0x0  }
0x180: {  	s10 =	rddreg [dreg:$0x11];
	[sflag:s12] =	ssyncadd.s32 $0xFFFFC000  }
0x181: {  	[tilespmem:s16], [sflag:$0x2] =	stream.indirect.gather [hbm4b:s4+s14], $0x80, s10, s14, $0xb8;
	[tilespmem:$0x1CC00] =	vst v63  }
0x182: {  	_ =	swait.ge [sflag:s17], $0x4000  }
0x183: {  	[sflag:s17] =	ssyncset.done $0x0  }
0x184: {  	s6 =	rddreg [dreg:$0x12];
	[sflag:s17] =	ssyncadd.s32 $0xFFFFC000  }
0x185: {  	[spmem:s2] =	stream.indirect.scatter.add.f32 [tilespmem:s15], [sflag:$0x3], $0x80, s6, s14, $0xb8;
	[tilespmem:$0x1CC00] =	vst v63  }
0x186: {  	_ =	swait.ge [sflag:s12], $0x4000  }
0x187: {  	[sflag:s12] =	ssyncset.done $0x0  }
0x188: {  	s8 =	rddreg [dreg:$0x13];
	[sflag:s12] =	ssyncadd.s32 $0xFFFFC000  }
0x189: {  	[tilespmem:s15], [sflag:$0x1] =	stream.indirect.gather [hbm4b:s4+s14], $0x80, s8, s14, $0xb8;
	[tilespmem:$0x1CC00] =	vst v63  }
0x18a: {  	_ =	swait.ge [sflag:s18], $0x4000  }
0x18b: {  	[sflag:s18] =	ssyncset.done $0x0  }
0x18c: {  	s10 =	rddreg [dreg:$0x14];
	[sflag:s18] =	ssyncadd.s32 $0xFFFFC000  }
0x18d: {  	[spmem:s2] =	stream.indirect.scatter.add.f32 [tilespmem:s16], [sflag:$0x3], $0x80, s10, s14, $0xb8;
	[tilespmem:$0x1CC00] =	vst v63  }
0x18e: {  	_ =	swait.ge [sflag:s12], $0x4000  }
0x18f: {  	[sflag:s12] =	ssyncset.done $0x0  }
0x190: {  	s6 =	rddreg [dreg:$0x15];
	[sflag:s12] =	ssyncadd.s32 $0xFFFFC000  }
0x191: {  	[tilespmem:s16], [sflag:$0x2] =	stream.indirect.gather [hbm4b:s4+s14], $0x80, s6, s14, $0xb8;
	[tilespmem:$0x1CC00] =	vst v63  }
0x192: {  	_ =	swait.ge [sflag:s17], $0x4000  }
0x193: {  	[sflag:s17] =	ssyncset.done $0x0  }
0x194: {  	[sflag:s17] =	ssyncadd.s32 $0xFFFFC000  }
0x195: {  	[spmem:s2] =	stream.indirect.scatter.add.f32 [tilespmem:s15], [sflag:$0x3], $0x80, s19, s14, $0xb8;
	[tilespmem:$0x1CC00] =	vst v63  }
0x196: {  	_ =	swait.ge [sflag:s12], $0x4000  }
0x197: {  	[sflag:s12] =	ssyncset.done $0x0  }
0x198: {  	[sflag:s12] =	ssyncadd.s32 $0xFFFFC000  }
0x199: {  	[tilespmem:s15], [sflag:$0x1] =	stream.indirect.gather [hbm4b:s4+s14], $0x80, s20, s14, $0xb8;
	[tilespmem:$0x1CC00] =	vst v63  }
0x19a: {  	_ =	swait.ge [sflag:s18], $0x4000  }
0x19b: {  	[sflag:s18] =	ssyncset.done $0x0  }
0x19c: {  	[sflag:s18] =	ssyncadd.s32 $0xFFFFC000  }
0x19d: {  	[spmem:s2] =	stream.indirect.scatter.add.f32 [tilespmem:s16], [sflag:$0x3], $0x80, s21, s14, $0xb8;
	[tilespmem:$0x1CC00] =	vst v63  }
0x19e: {  	_ =	swait.ge [sflag:s12], $0x4000  }
0x19f: {  	[sflag:s12] =	ssyncset.done $0x0  }
0x1a0: {  	[sflag:s12] =	ssyncadd.s32 $0xFFFFC000  }
0x1a1: {  	[tilespmem:s16], [sflag:$0x2] =	stream.indirect.gather [hbm4b:s4+s14], $0x80, s22, s14, $0xb8;
	[tilespmem:$0x1CC00] =	vst v63  }
0x1a2: {  	_ =	swait.ge [sflag:s17], $0x4000  }
0x1a3: {  	[sflag:s17] =	ssyncset.done $0x0  }
0x1a4: {  	[sflag:s17] =	ssyncadd.s32 $0xFFFFC000  }
0x1a5: {  	[spmem:s2] =	stream.indirect.scatter.add.f32 [tilespmem:s15], [sflag:$0x3], $0x80, s23, s14, $0xb8;
	[tilespmem:$0x1CC00] =	vst v63  }
0x1a6: {  	_ =	swait.ge [sflag:s12], $0x4000  }
0x1a7: {  	[sflag:s12] =	ssyncset.done $0x0  }
0x1a8: {  	[sflag:s12] =	ssyncadd.s32 $0xFFFFC000  }
0x1a9: {  	[tilespmem:s15], [sflag:$0x1] =	stream.indirect.gather [hbm4b:s4+s14], $0x80, s24, s14, $0xb8;
	[tilespmem:$0x1CC00] =	vst v63  }
0x1aa: {  	_ =	swait.ge [sflag:s18], $0x4000  }
0x1ab: {  	[sflag:s18] =	ssyncset.done $0x0  }
0x1ac: {  	[sflag:s18] =	ssyncadd.s32 $0xFFFFC000  }
0x1ad: {  	[spmem:s2] =	stream.indirect.scatter.add.f32 [tilespmem:s16], [sflag:$0x3], $0x80, s25, s14, $0xb8;
	[tilespmem:$0x1CC00] =	vst v63  }
0x1ae: {  	_ =	swait.ge [sflag:s12], $0x4000  }
0x1af: {  	[sflag:s12] =	ssyncset.done $0x0  }
0x1b0: {  	[sflag:s12] =	ssyncadd.s32 $0xFFFFC000  }
0x1b1: {  	[tilespmem:s16], [sflag:$0x2] =	stream.indirect.gather [hbm4b:s4+s14], $0x80, s26, s14, $0xb8;
	[tilespmem:$0x1CC00] =	vst v63  }
0x1b2: {  	_ =	swait.ge [sflag:s17], $0x4000  }
0x1b3: {  	[sflag:s17] =	ssyncset.done $0x0  }
0x1b4: {  	[sflag:s17] =	ssyncadd.s32 $0xFFFFC000  }
0x1b5: {  	[spmem:s2] =	stream.indirect.scatter.add.f32 [tilespmem:s15], [sflag:$0x3], $0x80, s28, s14, $0xb8;
	[tilespmem:$0x1CC00] =	vst v63  }
0x1b6: {  	_ =	swait.ge [sflag:s12], $0x4000  }
0x1b7: {  	[sflag:s12] =	ssyncset.done $0x0  }
0x1b8: {  	[sflag:s12] =	ssyncadd.s32 $0xFFFFC000  }
0x1b9: {  	[tilespmem:s15], [sflag:$0x1] =	stream.indirect.gather [hbm4b:s4+s14], $0x80, s29, s14, $0xb8;
	[tilespmem:$0x1CC00] =	vst v63  }
0x1ba: {  	_ =	swait.ge [sflag:s18], $0x4000  }
0x1bb: {  	[sflag:s18] =	ssyncset.done $0x0  }
0x1bc: {  	[sflag:s18] =	ssyncadd.s32 $0xFFFFC000  }
0x1bd: {  	[spmem:s2] =	stream.indirect.scatter.add.f32 [tilespmem:s16], [sflag:$0x3], $0x80, s30, s14, $0xb8;
	[tilespmem:$0x1CC00] =	vst v63  }
0x1be: {  	_ =	swait.ge [sflag:s12], $0x4000  }
0x1bf: {  	[sflag:s12] =	ssyncset.done $0x0  }
0x1c0: {  	[sflag:s12] =	ssyncadd.s32 $0xFFFFC000  }
0x1c1: {  	[tilespmem:s16], [sflag:$0x2] =	stream.indirect.gather [hbm4b:s4+s14], $0x80, s31, s14, $0xb8;
	[tilespmem:$0x1CC00] =	vst v63  }
0x1c2: {  	_ =	swait.ge [sflag:s17], $0x4000  }
0x1c3: {  	[sflag:s17] =	ssyncset.done $0x0  }
0x1c4: {  	[sflag:s17] =	ssyncadd.s32 $0xFFFFC000  }
0x1c5: {  	[spmem:s2] =	stream.indirect.scatter.add.f32 [tilespmem:s15], [sflag:$0x3], $0x80, s0, s14, $0xb8;
	[tilespmem:$0x1CC00] =	vst v63  }
0x1c6: {  	_ =	swait.ge [sflag:s12], $0x4000  }
0x1c7: {  	[sflag:s12] =	ssyncset.done $0x0  }
0x1c8: {  	[sflag:s12] =	ssyncadd.s32 $0xFFFFC000  }
0x1c9: {  	_ =	swait.ge [sflag:s18], $0x4000  }
0x1ca: {  	[sflag:s18] =	ssyncset.done $0x0  }
0x1cb: {  	[sflag:s18] =	ssyncadd.s32 $0xFFFFC000  }
0x1cc: {  	[spmem:s2] =	stream.indirect.scatter.add.f32 [tilespmem:s16], [sflag:$0x3], $0x80, s1, s14, $0xb8;
	[tilespmem:$0x1CC00] =	vst v63  }
0x1cd: {  	_ =	swait.ge [sflag:s12], $0x4000  }
0x1ce: {  	[sflag:s12] =	ssyncset.done $0x0  }
0x1cf: {  	[sflag:s12] =	ssyncadd.s32 $0xFFFFC000  }
0x1d0: {  	[bflag:$0x0] =	sbarrier.arrive $0xFFFF  }
0x1d1: {  	s6 =	rddreg [dreg:$0x1a]  }
0x1d2: {  	s8 =	rddreg [dreg:$0x18]  }
0x1d3: {  	[hbm:s8], [sflag:s6] =	dma.local [spmem:s11], $0x2780  }
0x1d4: {  	_ =	swait.ge [sflag:s12], $0x2780  }
0x1d5: {  	s7 =	sadd.s32 $0x1, s7;
	s10 =	rddreg [dreg:$0x19]  }
0x1d6: {  	p0 =	sne.s32 s7, s10  }
.Ltmp3:
0x1d7: {  	_ = 	snop;
	(pc) =	sbr.rel @p0 .LBB2_1-.Ltmp3, $4  }
.Ltmp4:
0x1d8: {  	_ = 	snop;
	(pc) =	sbr.rel @!p0 .LBB2_7-.Ltmp4, $4  }
0x1d9: {  	_ = 	snop  }
0x1da: {  	[sflag:s12] =	ssyncset.done $0x0  }
0x1db: {  	[sflag:s12] =	ssyncadd.s32 $0xFFFFD880  }
0x1dc: {  	_ = 	snop  }
.LBB2_2:
.Ltmp5:
0x1dd: {  	(pc) =	sbr.rel .LBB2_6-.Ltmp5, $2  }
0x1de: {  	_ =	sdelay $0x2  }
0x1df: {  	s5 =	smov.u32 s9  }
.LBB2_4:
.Ltmp6:
0x1e0: {  	(pc) =	sbr.rel .LBB2_6-.Ltmp6, $2  }
0x1e1: {  	_ =	sdelay $0x2  }
0x1e2: {  	s5 =	smov.u32 s9  }
.LBB2_7:
0x1e3: {  	_ =	sfence.sel $0x180000  }
0x1e4: {  	[bflag:$0x0] =	sbarrier.arrive $0xFFFF  }
0x1e5: {  	_ =	strace $0x90000047  }
0x1e6: {  	s0 =	stileid.u32;
	[bflag:$0x2] =	sbarrier.arrive $0xFFFF  }
0x1e7: {  	p0 =	sne.s32 s0, $0x0;
	s0 =	rddreg [dreg:$0x4]  }
0x1e8: {  	s0 =	sadd.s32 @!p0 $0x100000, s0  }
0x1e9: {  	[sflag:s0] =	ssyncadd.tile.s32 @!p0 $0x1;
	_ =	shalt  }
.Lfunc_end2:
_tile_overlayer_lowered:
.L_overlay_start_2:
0x1ea: {  	(tag) =	ssettag $0x2  }
0x1eb: {  	s0 =	rddreg [dreg:$0x0];
	s2 =	stileid.u32  }
0x1ec: {  	s1 =	rddreg [dreg:$0x1];
	p0 =	sne.s32 s2, $0x0  }
0x1ed: {  	s3 =	rddreg [dreg:$0x2];
	[bflag:$0x3] =	sbarrier.arrive $0xFFFF;
	s2 =	simm.s32 @!p0 $0x1C03  }
0x1ee: {  	[timem:s3], [sflag:s2] =	dma.local @!p0 [hbm:s0], s1  }
0x1ef: {  	s0 =	simm.s32 @!p0 $0x3  }
0x1f0: {  	_ =	swait.ge @!p0 [sflag:s0], s1  }
0x1f1: {  	s1 =	ssub.s32 @!p0 $0x0, s1;
	[sflag:s0] =	ssyncset.done @!p0 $0x0  }
0x1f2: {  	[sflag:s0] =	ssyncadd.s32 @!p0 s1  }
0x1f3: {  	[bflag:$0x3] =	sbarrier.arrive $0xFFFF  }
0x1f4: {  	_ =	shalt  }

</sc_bundles>
